<compile_context>
chip_gen: v7x
topology: tpu7x:2x2x1
jax: 0.10.2.dev20260603
libtpu: 0.0.44.dev20260713+nightly
codegen_flags: <defaults>
</compile_context>

<pallas_src>
import functools

import jax
import jax.numpy as jnp
from jax import lax
from jax.experimental import pallas as pl
from jax.experimental.pallas import tpu as pltpu
from jax.experimental.pallas import tpu_sc as plsc

N_FACTORS = 64
BATCH = 16384
IDX_CHUNK = 128

_info = plsc.get_sparse_core_info()
_NC, _NS, _L = _info.num_cores, _info.num_subcores, _info.num_lanes
_NW = _NC * _NS
_B_PER_W = BATCH // _NW
_N_CHUNKS = _B_PER_W // IDX_CHUNK
_N_GROUPS = _B_PER_W // _L


def _bpr_body(xr, user_t, item_t, out, idx_v, ru, ri, rj, out_v, sem):
    wid = lax.axis_index("s") * _NC + lax.axis_index("c")

    pltpu.sync_copy(xr.at[0, pl.ds(wid * _N_CHUNKS, _N_CHUNKS)], idx_v.at[0])
    pltpu.sync_copy(xr.at[1, pl.ds(wid * _N_CHUNKS, _N_CHUNKS)], idx_v.at[1])
    pltpu.sync_copy(xr.at[2, pl.ds(wid * _N_CHUNKS, _N_CHUNKS)], idx_v.at[2])

    copies = []
    for j in range(_N_CHUNKS):
        dst = pl.ds(j * IDX_CHUNK, IDX_CHUNK)
        copies.append(pltpu.async_copy(user_t.at[idx_v.at[0, j]], ru.at[dst], sem))
        copies.append(pltpu.async_copy(item_t.at[idx_v.at[1, j]], ri.at[dst], sem))
        copies.append(pltpu.async_copy(item_t.at[idx_v.at[2, j]], rj.at[dst], sem))
    for c in copies:
        c.wait()

    lanes = lax.iota(jnp.int32, _L)

    def group_body(g, loss_acc):
        ridx = g * _L + lanes

        def col_body(k, acc):
            cidx = jnp.zeros((_L,), jnp.int32) + k
            gu = plsc.load_gather(ru, [ridx, cidx])
            gi = plsc.load_gather(ri, [ridx, cidx])
            gj = plsc.load_gather(rj, [ridx, cidx])
            return acc + gu * (gi - gj)

        z = lax.fori_loop(0, N_FACTORS, col_body, jnp.zeros((_L,), jnp.float32))
        e = jnp.exp(-jnp.abs(z))
        w = e / (2.0 + e)
        w2 = w * w
        ln1p = 2.0 * w * (1.0 + w2 * (
            (1.0 / 3.0) + w2 * ((1.0 / 5.0) + w2 * ((1.0 / 7.0) + w2 * (1.0 / 9.0)))))
        return loss_acc + jnp.maximum(-z, 0.0) + ln1p

    loss_acc = lax.fori_loop(0, _N_GROUPS, group_body, jnp.zeros((_L,), jnp.float32))
    total = jnp.sum(loss_acc)
    out_v[...] = jnp.zeros((_L,), jnp.float32) + total
    pltpu.sync_copy(out_v, out.at[pl.ds(wid * _L, _L)])


_bpr_sc = functools.partial(
    pl.kernel,
    mesh=plsc.VectorSubcoreMesh(core_axis_name="c", subcore_axis_name="s"),
    compiler_params=pltpu.CompilerParams(
        needs_layout_passes=False, use_tc_tiling_on_sc=False),
    cost_estimate=pl.CostEstimate(
        flops=3 * BATCH * N_FACTORS * 2,
        transcendentals=BATCH,
        bytes_accessed=3 * BATCH * N_FACTORS * 4),
    out_type=jax.ShapeDtypeStruct((_NW * _L,), jnp.float32),
    scratch_types=[
        pltpu.VMEM((3, _N_CHUNKS, IDX_CHUNK), jnp.int32),
        pltpu.VMEM((_B_PER_W, N_FACTORS), jnp.float32),
        pltpu.VMEM((_B_PER_W, N_FACTORS), jnp.float32),
        pltpu.VMEM((_B_PER_W, N_FACTORS), jnp.float32),
        pltpu.VMEM((_L,), jnp.float32),
        pltpu.SemaphoreType.DMA,
    ],
)(_bpr_body)


def kernel(x, user_embeddings, item_embeddings):
    xr = x.astype(jnp.int32).reshape(3, BATCH // IDX_CHUNK, IDX_CHUNK)
    partials = _bpr_sc(xr, user_embeddings, item_embeddings)
    return jnp.sum(partials.reshape(_NW, _L)[:, 0])

# --- scband reference (transcript-rebuilt; emitter-appended) ---
"""Pipeline reference for scband-mf-bp-model-70411693850849 (READ-ONLY COPY).

The authoritative reference and input builder live on the scoring server;
editing this copy changes nothing except your own understanding.
"""

import jax, jax.numpy as jnp
import numpy as np

N_USERS = 1000000
N_ITEMS = 1000000
N_FACTORS = 64
BATCH = 16384


def setup_inputs(seed: int = 0) -> dict:
    key = jax.random.key(seed)
    k1, k2, k3 = jax.random.split(key, 3)
    # index tensor x: row 0 = user ids, row 1 = pos item ids, row 2 = neg item ids
    x = jax.random.randint(k1, (3, BATCH), 0, N_USERS, dtype=jnp.int64) if jax.config.jax_enable_x64 else jax.random.randint(k1, (3, BATCH), 0, N_USERS).astype(jnp.int32)
    # xavier_normal for [fan_out, fan_in] = [n, f]: std = sqrt(2/(n+f))
    std_u = float(np.sqrt(2.0 / (N_USERS + N_FACTORS)))
    std_i = float(np.sqrt(2.0 / (N_ITEMS + N_FACTORS)))
    user_embeddings = jax.random.normal(k2, (N_USERS, N_FACTORS), dtype=jnp.float32) * std_u
    item_embeddings = jax.random.normal(k3, (N_ITEMS, N_FACTORS), dtype=jnp.float32) * std_i
    return {"x": x, "user_embeddings": user_embeddings, "item_embeddings": item_embeddings}


def reference(x, user_embeddings, item_embeddings):
    x_u = jnp.take(user_embeddings, x[0], axis=0)
    x_i = jnp.take(item_embeddings, x[1], axis=0)
    x_j = jnp.take(item_embeddings, x[2], axis=0)
    pos_scores = jnp.sum(x_u * x_i, axis=1)
    neg_scores = jnp.sum(x_u * x_j, axis=1)
    xuij = jax.nn.log_sigmoid(pos_scores - neg_scores)
    loss = -jnp.sum(xuij)
    return loss

if __name__ == "__main__":
    import jax
    _d = setup_inputs()
    print(jax.jit(kernel)(*tuple(_d.values())))

</pallas_src>

<mosaic_0001>
#map = affine_map<(d0, d1) -> (0, 0, 0)>
#map1 = affine_map<(d0, d1) -> (0, 0)>
#map2 = affine_map<(d0, d1) -> (0)>
module attributes {stable_mosaic.version = 14 : i64} {
  func.func @_bpr_body(%arg0: i32, %arg1: i32, %arg2: memref<3x128x128xi32, #tpu.memory_space<hbm>>, %arg3: memref<1000000x64xf32, #tpu.memory_space<hbm>>, %arg4: memref<1000000x64xf32, #tpu.memory_space<hbm>>, %arg5: memref<512xf32, #tpu.memory_space<hbm>>, %arg6: memref<3x4x128xi32, #tpu.memory_space<vmem>>, %arg7: memref<512x64xf32, #tpu.memory_space<vmem>>, %arg8: memref<512x64xf32, #tpu.memory_space<vmem>>, %arg9: memref<512x64xf32, #tpu.memory_space<vmem>>, %arg10: memref<16xf32, #tpu.memory_space<vmem>>, %arg11: memref<!tpu.dma_semaphore, #tpu.memory_space<semaphore_mem>>) attributes {dimension_semantics = [#tpu.dimension_semantics<core_parallel>, #tpu.dimension_semantics<subcore_parallel>], iteration_bounds = array<i64: 2, 16>, scalar_prefetch = 0 : i64, scratch_operands = 6 : i64, tpu.core_type = #tpu.core_type<sc_vector_subcore>, window_params = [{transform_indices = #map}, {transform_indices = #map1}, {transform_indices = #map1}, {transform_indices = #map2}]} {
    %mul3A = arith.constant 2 : i32
    %mul3A_0 = arith.muli %arg1, %mul3A : i32
    %add3A = arith.addi %mul3A_0, %arg0 : i32
    %mul3A_1 = arith.constant 4 : i32
    %mul3A_2 = arith.muli %add3A, %mul3A_1 : i32
    %run_scoped3A = arith.constant 0 : i32
    %run_scoped3A_3 = arith.constant 0 : i32
    "tpu.region"() ({
      %run_scoped3A_290 = tpu.sem_alloc : memref<!tpu.dma_semaphore, #tpu.memory_space<semaphore_mem>>
      %dma_start3A_291 = arith.constant 0 : i32
      %dma_start3A_292 = arith.constant 0 : i32
      %dma_start3A_293 = tpu.memref_slice %arg6[%run_scoped3A_3, %dma_start3A_291, %dma_start3A_292] : memref<3x4x128xi32, #tpu.memory_space<vmem>> -> memref<1x4x128xi32, #tpu.memory_space<vmem>>
      %dma_start3A_294 = tpu.memref_squeeze %dma_start3A_293 : memref<1x4x128xi32, #tpu.memory_space<vmem>> -> memref<4x128xi32, #tpu.memory_space<vmem>>
      %dma_start3A_295 = arith.constant 0 : i32
      %dma_start3A_296 = tpu.memref_slice %arg2[%run_scoped3A, %mul3A_2, %dma_start3A_295] : memref<3x128x128xi32, #tpu.memory_space<hbm>> -> memref<1x4x128xi32, #tpu.memory_space<hbm>>
      %dma_start3A_297 = tpu.memref_squeeze %dma_start3A_296 : memref<1x4x128xi32, #tpu.memory_space<hbm>> -> memref<4x128xi32, #tpu.memory_space<hbm>>
      %dma_start3A_298 = arith.constant 0 : i32
      %dma_start3A_299 = arith.constant 0 : i32
      %dma_start3A_300 = tpu.memref_slice %arg6[%run_scoped3A_3, %dma_start3A_298, %dma_start3A_299] : memref<3x4x128xi32, #tpu.memory_space<vmem>> -> memref<1x4x128xi32, #tpu.memory_space<vmem>>
      %dma_start3A_301 = tpu.memref_squeeze %dma_start3A_300 : memref<1x4x128xi32, #tpu.memory_space<vmem>> -> memref<4x128xi32, #tpu.memory_space<vmem>>
      %dma_start3A_302 = arith.constant 0 : i32
      %dma_start3A_303 = tpu.memref_slice %arg2[%run_scoped3A, %mul3A_2, %dma_start3A_302] : memref<3x128x128xi32, #tpu.memory_space<hbm>> -> memref<1x4x128xi32, #tpu.memory_space<hbm>>
      %dma_start3A_304 = tpu.memref_squeeze %dma_start3A_303 : memref<1x4x128xi32, #tpu.memory_space<hbm>> -> memref<4x128xi32, #tpu.memory_space<hbm>>
      tpu.enqueue_dma source(%dma_start3A_304 : memref<4x128xi32, #tpu.memory_space<hbm>>) target(%dma_start3A_301 : memref<4x128xi32, #tpu.memory_space<vmem>>) target_semaphore(%run_scoped3A_290 : memref<!tpu.dma_semaphore, #tpu.memory_space<semaphore_mem>>)
      %dma_wait3A_305 = arith.constant 0 : i32
      %dma_wait3A_306 = arith.constant 0 : i32
      %dma_wait3A_307 = tpu.memref_slice %arg6[%run_scoped3A_3, %dma_wait3A_305, %dma_wait3A_306] : memref<3x4x128xi32, #tpu.memory_space<vmem>> -> memref<1x4x128xi32, #tpu.memory_space<vmem>>
      %dma_wait3A_308 = tpu.memref_squeeze %dma_wait3A_307 : memref<1x4x128xi32, #tpu.memory_space<vmem>> -> memref<4x128xi32, #tpu.memory_space<vmem>>
      %dma_wait3A_309 = arith.constant 0 : i32
      %dma_wait3A_310 = tpu.memref_slice %arg2[%run_scoped3A, %mul3A_2, %dma_wait3A_309] : memref<3x128x128xi32, #tpu.memory_space<hbm>> -> memref<1x4x128xi32, #tpu.memory_space<hbm>>
      %dma_wait3A_311 = tpu.memref_squeeze %dma_wait3A_310 : memref<1x4x128xi32, #tpu.memory_space<hbm>> -> memref<4x128xi32, #tpu.memory_space<hbm>>
      %dma_wait3A_312 = arith.constant 0 : i32
      %dma_wait3A_313 = arith.constant 0 : i32
      %dma_wait3A_314 = tpu.memref_slice %arg6[%run_scoped3A_3, %dma_wait3A_312, %dma_wait3A_313] : memref<3x4x128xi32, #tpu.memory_space<vmem>> -> memref<1x4x128xi32, #tpu.memory_space<vmem>>
      %dma_wait3A_315 = tpu.memref_squeeze %dma_wait3A_314 : memref<1x4x128xi32, #tpu.memory_space<vmem>> -> memref<4x128xi32, #tpu.memory_space<vmem>>
      %dma_wait3A_316 = arith.constant 0 : i32
      %dma_wait3A_317 = tpu.memref_slice %arg2[%run_scoped3A, %mul3A_2, %dma_wait3A_316] : memref<3x128x128xi32, #tpu.memory_space<hbm>> -> memref<1x4x128xi32, #tpu.memory_space<hbm>>
      %dma_wait3A_318 = tpu.memref_squeeze %dma_wait3A_317 : memref<1x4x128xi32, #tpu.memory_space<hbm>> -> memref<4x128xi32, #tpu.memory_space<hbm>>
      tpu.wait_dma2 semaphore(%run_scoped3A_290 : memref<!tpu.dma_semaphore, #tpu.memory_space<semaphore_mem>>) src(%dma_wait3A_318 : memref<4x128xi32, #tpu.memory_space<hbm>>) dst(%dma_wait3A_315 : memref<4x128xi32, #tpu.memory_space<vmem>>)
      tpu.yield
    }) : () -> ()
    %mul3A_4 = arith.constant 4 : i32
    %mul3A_5 = arith.muli %add3A, %mul3A_4 : i32
    %run_scoped3A_6 = arith.constant 1 : i32
    %run_scoped3A_7 = arith.constant 1 : i32
    "tpu.region"() ({
      %run_scoped3A_290 = tpu.sem_alloc : memref<!tpu.dma_semaphore, #tpu.memory_space<semaphore_mem>>
      %dma_start3A_291 = arith.constant 0 : i32
      %dma_start3A_292 = arith.constant 0 : i32
      %dma_start3A_293 = tpu.memref_slice %arg6[%run_scoped3A_7, %dma_start3A_291, %dma_start3A_292] : memref<3x4x128xi32, #tpu.memory_space<vmem>> -> memref<1x4x128xi32, #tpu.memory_space<vmem>>
      %dma_start3A_294 = tpu.memref_squeeze %dma_start3A_293 : memref<1x4x128xi32, #tpu.memory_space<vmem>> -> memref<4x128xi32, #tpu.memory_space<vmem>>
      %dma_start3A_295 = arith.constant 0 : i32
      %dma_start3A_296 = tpu.memref_slice %arg2[%run_scoped3A_6, %mul3A_5, %dma_start3A_295] : memref<3x128x128xi32, #tpu.memory_space<hbm>> -> memref<1x4x128xi32, #tpu.memory_space<hbm>>
      %dma_start3A_297 = tpu.memref_squeeze %dma_start3A_296 : memref<1x4x128xi32, #tpu.memory_space<hbm>> -> memref<4x128xi32, #tpu.memory_space<hbm>>
      %dma_start3A_298 = arith.constant 0 : i32
      %dma_start3A_299 = arith.constant 0 : i32
      %dma_start3A_300 = tpu.memref_slice %arg6[%run_scoped3A_7, %dma_start3A_298, %dma_start3A_299] : memref<3x4x128xi32, #tpu.memory_space<vmem>> -> memref<1x4x128xi32, #tpu.memory_space<vmem>>
      %dma_start3A_301 = tpu.memref_squeeze %dma_start3A_300 : memref<1x4x128xi32, #tpu.memory_space<vmem>> -> memref<4x128xi32, #tpu.memory_space<vmem>>
      %dma_start3A_302 = arith.constant 0 : i32
      %dma_start3A_303 = tpu.memref_slice %arg2[%run_scoped3A_6, %mul3A_5, %dma_start3A_302] : memref<3x128x128xi32, #tpu.memory_space<hbm>> -> memref<1x4x128xi32, #tpu.memory_space<hbm>>
      %dma_start3A_304 = tpu.memref_squeeze %dma_start3A_303 : memref<1x4x128xi32, #tpu.memory_space<hbm>> -> memref<4x128xi32, #tpu.memory_space<hbm>>
      tpu.enqueue_dma source(%dma_start3A_304 : memref<4x128xi32, #tpu.memory_space<hbm>>) target(%dma_start3A_301 : memref<4x128xi32, #tpu.memory_space<vmem>>) target_semaphore(%run_scoped3A_290 : memref<!tpu.dma_semaphore, #tpu.memory_space<semaphore_mem>>)
      %dma_wait3A_305 = arith.constant 0 : i32
      %dma_wait3A_306 = arith.constant 0 : i32
      %dma_wait3A_307 = tpu.memref_slice %arg6[%run_scoped3A_7, %dma_wait3A_305, %dma_wait3A_306] : memref<3x4x128xi32, #tpu.memory_space<vmem>> -> memref<1x4x128xi32, #tpu.memory_space<vmem>>
      %dma_wait3A_308 = tpu.memref_squeeze %dma_wait3A_307 : memref<1x4x128xi32, #tpu.memory_space<vmem>> -> memref<4x128xi32, #tpu.memory_space<vmem>>
      %dma_wait3A_309 = arith.constant 0 : i32
      %dma_wait3A_310 = tpu.memref_slice %arg2[%run_scoped3A_6, %mul3A_5, %dma_wait3A_309] : memref<3x128x128xi32, #tpu.memory_space<hbm>> -> memref<1x4x128xi32, #tpu.memory_space<hbm>>
      %dma_wait3A_311 = tpu.memref_squeeze %dma_wait3A_310 : memref<1x4x128xi32, #tpu.memory_space<hbm>> -> memref<4x128xi32, #tpu.memory_space<hbm>>
      %dma_wait3A_312 = arith.constant 0 : i32
      %dma_wait3A_313 = arith.constant 0 : i32
      %dma_wait3A_314 = tpu.memref_slice %arg6[%run_scoped3A_7, %dma_wait3A_312, %dma_wait3A_313] : memref<3x4x128xi32, #tpu.memory_space<vmem>> -> memref<1x4x128xi32, #tpu.memory_space<vmem>>
      %dma_wait3A_315 = tpu.memref_squeeze %dma_wait3A_314 : memref<1x4x128xi32, #tpu.memory_space<vmem>> -> memref<4x128xi32, #tpu.memory_space<vmem>>
      %dma_wait3A_316 = arith.constant 0 : i32
      %dma_wait3A_317 = tpu.memref_slice %arg2[%run_scoped3A_6, %mul3A_5, %dma_wait3A_316] : memref<3x128x128xi32, #tpu.memory_space<hbm>> -> memref<1x4x128xi32, #tpu.memory_space<hbm>>
      %dma_wait3A_318 = tpu.memref_squeeze %dma_wait3A_317 : memref<1x4x128xi32, #tpu.memory_space<hbm>> -> memref<4x128xi32, #tpu.memory_space<hbm>>
      tpu.wait_dma2 semaphore(%run_scoped3A_290 : memref<!tpu.dma_semaphore, #tpu.memory_space<semaphore_mem>>) src(%dma_wait3A_318 : memref<4x128xi32, #tpu.memory_space<hbm>>) dst(%dma_wait3A_315 : memref<4x128xi32, #tpu.memory_space<vmem>>)
      tpu.yield
    }) : () -> ()
    %mul3A_8 = arith.constant 4 : i32
    %mul3A_9 = arith.muli %add3A, %mul3A_8 : i32
    %run_scoped3A_10 = arith.constant 2 : i32
    %run_scoped3A_11 = arith.constant 2 : i32
    "tpu.region"() ({
      %run_scoped3A_290 = tpu.sem_alloc : memref<!tpu.dma_semaphore, #tpu.memory_space<semaphore_mem>>
      %dma_start3A_291 = arith.constant 0 : i32
      %dma_start3A_292 = arith.constant 0 : i32
      %dma_start3A_293 = tpu.memref_slice %arg6[%run_scoped3A_11, %dma_start3A_291, %dma_start3A_292] : memref<3x4x128xi32, #tpu.memory_space<vmem>> -> memref<1x4x128xi32, #tpu.memory_space<vmem>>
      %dma_start3A_294 = tpu.memref_squeeze %dma_start3A_293 : memref<1x4x128xi32, #tpu.memory_space<vmem>> -> memref<4x128xi32, #tpu.memory_space<vmem>>
      %dma_start3A_295 = arith.constant 0 : i32
      %dma_start3A_296 = tpu.memref_slice %arg2[%run_scoped3A_10, %mul3A_9, %dma_start3A_295] : memref<3x128x128xi32, #tpu.memory_space<hbm>> -> memref<1x4x128xi32, #tpu.memory_space<hbm>>
      %dma_start3A_297 = tpu.memref_squeeze %dma_start3A_296 : memref<1x4x128xi32, #tpu.memory_space<hbm>> -> memref<4x128xi32, #tpu.memory_space<hbm>>
      %dma_start3A_298 = arith.constant 0 : i32
      %dma_start3A_299 = arith.constant 0 : i32
      %dma_start3A_300 = tpu.memref_slice %arg6[%run_scoped3A_11, %dma_start3A_298, %dma_start3A_299] : memref<3x4x128xi32, #tpu.memory_space<vmem>> -> memref<1x4x128xi32, #tpu.memory_space<vmem>>
      %dma_start3A_301 = tpu.memref_squeeze %dma_start3A_300 : memref<1x4x128xi32, #tpu.memory_space<vmem>> -> memref<4x128xi32, #tpu.memory_space<vmem>>
      %dma_start3A_302 = arith.constant 0 : i32
      %dma_start3A_303 = tpu.memref_slice %arg2[%run_scoped3A_10, %mul3A_9, %dma_start3A_302] : memref<3x128x128xi32, #tpu.memory_space<hbm>> -> memref<1x4x128xi32, #tpu.memory_space<hbm>>
      %dma_start3A_304 = tpu.memref_squeeze %dma_start3A_303 : memref<1x4x128xi32, #tpu.memory_space<hbm>> -> memref<4x128xi32, #tpu.memory_space<hbm>>
      tpu.enqueue_dma source(%dma_start3A_304 : memref<4x128xi32, #tpu.memory_space<hbm>>) target(%dma_start3A_301 : memref<4x128xi32, #tpu.memory_space<vmem>>) target_semaphore(%run_scoped3A_290 : memref<!tpu.dma_semaphore, #tpu.memory_space<semaphore_mem>>)
      %dma_wait3A_305 = arith.constant 0 : i32
      %dma_wait3A_306 = arith.constant 0 : i32
      %dma_wait3A_307 = tpu.memref_slice %arg6[%run_scoped3A_11, %dma_wait3A_305, %dma_wait3A_306] : memref<3x4x128xi32, #tpu.memory_space<vmem>> -> memref<1x4x128xi32, #tpu.memory_space<vmem>>
      %dma_wait3A_308 = tpu.memref_squeeze %dma_wait3A_307 : memref<1x4x128xi32, #tpu.memory_space<vmem>> -> memref<4x128xi32, #tpu.memory_space<vmem>>
      %dma_wait3A_309 = arith.constant 0 : i32
      %dma_wait3A_310 = tpu.memref_slice %arg2[%run_scoped3A_10, %mul3A_9, %dma_wait3A_309] : memref<3x128x128xi32, #tpu.memory_space<hbm>> -> memref<1x4x128xi32, #tpu.memory_space<hbm>>
      %dma_wait3A_311 = tpu.memref_squeeze %dma_wait3A_310 : memref<1x4x128xi32, #tpu.memory_space<hbm>> -> memref<4x128xi32, #tpu.memory_space<hbm>>
      %dma_wait3A_312 = arith.constant 0 : i32
      %dma_wait3A_313 = arith.constant 0 : i32
      %dma_wait3A_314 = tpu.memref_slice %arg6[%run_scoped3A_11, %dma_wait3A_312, %dma_wait3A_313] : memref<3x4x128xi32, #tpu.memory_space<vmem>> -> memref<1x4x128xi32, #tpu.memory_space<vmem>>
      %dma_wait3A_315 = tpu.memref_squeeze %dma_wait3A_314 : memref<1x4x128xi32, #tpu.memory_space<vmem>> -> memref<4x128xi32, #tpu.memory_space<vmem>>
      %dma_wait3A_316 = arith.constant 0 : i32
      %dma_wait3A_317 = tpu.memref_slice %arg2[%run_scoped3A_10, %mul3A_9, %dma_wait3A_316] : memref<3x128x128xi32, #tpu.memory_space<hbm>> -> memref<1x4x128xi32, #tpu.memory_space<hbm>>
      %dma_wait3A_318 = tpu.memref_squeeze %dma_wait3A_317 : memref<1x4x128xi32, #tpu.memory_space<hbm>> -> memref<4x128xi32, #tpu.memory_space<hbm>>
      tpu.wait_dma2 semaphore(%run_scoped3A_290 : memref<!tpu.dma_semaphore, #tpu.memory_space<semaphore_mem>>) src(%dma_wait3A_318 : memref<4x128xi32, #tpu.memory_space<hbm>>) dst(%dma_wait3A_315 : memref<4x128xi32, #tpu.memory_space<vmem>>)
      tpu.yield
    }) : () -> ()
    %dma_start3A = arith.constant 0 : i32
    %dma_start3A_12 = arith.constant 0 : i32
    %dma_start3A_13 = arith.constant 0 : i32
    %dma_start3A_14 = arith.constant 0 : i32
    %dma_start3A_15 = tpu.memref_slice %arg7[%dma_start3A_13, %dma_start3A_14] : memref<512x64xf32, #tpu.memory_space<vmem>> -> memref<128x64xf32, #tpu.memory_space<vmem>>
    %dma_start3A_16 = arith.constant 0 : i32
    %dma_start3A_17 = tpu.memref_slice %arg6[%dma_start3A, %dma_start3A_12, %dma_start3A_16] : memref<3x4x128xi32, #tpu.memory_space<vmem>> -> memref<1x1x128xi32, #tpu.memory_space<vmem>>
    %dma_start3A_18 = tpu.memref_squeeze %dma_start3A_17 : memref<1x1x128xi32, #tpu.memory_space<vmem>> -> memref<128xi32, #tpu.memory_space<vmem>>
    %dma_start3A_19 = arith.constant 0 : i32
    %dma_start3A_20 = arith.constant 0 : i32
    %dma_start3A_21 = tpu.memref_slice %arg3[%dma_start3A_19, %dma_start3A_20] : memref<1000000x64xf32, #tpu.memory_space<hbm>> -> memref<1000000x64xf32, #tpu.memory_space<hbm>>
    tpu.enqueue_indirect_dma source(%dma_start3A_21 : memref<1000000x64xf32, #tpu.memory_space<hbm>>) target(%dma_start3A_15 : memref<128x64xf32, #tpu.memory_space<vmem>>) offsets(%dma_start3A_18 : memref<128xi32, #tpu.memory_space<vmem>>) semaphore(%arg11 : memref<!tpu.dma_semaphore, #tpu.memory_space<semaphore_mem>>)
    %dma_start3A_22 = arith.constant 1 : i32
    %dma_start3A_23 = arith.constant 0 : i32
    %dma_start3A_24 = arith.constant 0 : i32
    %dma_start3A_25 = arith.constant 0 : i32
    %dma_start3A_26 = tpu.memref_slice %arg8[%dma_start3A_24, %dma_start3A_25] : memref<512x64xf32, #tpu.memory_space<vmem>> -> memref<128x64xf32, #tpu.memory_space<vmem>>
    %dma_start3A_27 = arith.constant 0 : i32
    %dma_start3A_28 = tpu.memref_slice %arg6[%dma_start3A_22, %dma_start3A_23, %dma_start3A_27] : memref<3x4x128xi32, #tpu.memory_space<vmem>> -> memref<1x1x128xi32, #tpu.memory_space<vmem>>
    %dma_start3A_29 = tpu.memref_squeeze %dma_start3A_28 : memref<1x1x128xi32, #tpu.memory_space<vmem>> -> memref<128xi32, #tpu.memory_space<vmem>>
    %dma_start3A_30 = arith.constant 0 : i32
    %dma_start3A_31 = arith.constant 0 : i32
    %dma_start3A_32 = tpu.memref_slice %arg4[%dma_start3A_30, %dma_start3A_31] : memref<1000000x64xf32, #tpu.memory_space<hbm>> -> memref<1000000x64xf32, #tpu.memory_space<hbm>>
    tpu.enqueue_indirect_dma source(%dma_start3A_32 : memref<1000000x64xf32, #tpu.memory_space<hbm>>) target(%dma_start3A_26 : memref<128x64xf32, #tpu.memory_space<vmem>>) offsets(%dma_start3A_29 : memref<128xi32, #tpu.memory_space<vmem>>) semaphore(%arg11 : memref<!tpu.dma_semaphore, #tpu.memory_space<semaphore_mem>>)
    %dma_start3A_33 = arith.constant 2 : i32
    %dma_start3A_34 = arith.constant 0 : i32
    %dma_start3A_35 = arith.constant 0 : i32
    %dma_start3A_36 = arith.constant 0 : i32
    %dma_start3A_37 = tpu.memref_slice %arg9[%dma_start3A_35, %dma_start3A_36] : memref<512x64xf32, #tpu.memory_space<vmem>> -> memref<128x64xf32, #tpu.memory_space<vmem>>
    %dma_start3A_38 = arith.constant 0 : i32
    %dma_start3A_39 = tpu.memref_slice %arg6[%dma_start3A_33, %dma_start3A_34, %dma_start3A_38] : memref<3x4x128xi32, #tpu.memory_space<vmem>> -> memref<1x1x128xi32, #tpu.memory_space<vmem>>
    %dma_start3A_40 = tpu.memref_squeeze %dma_start3A_39 : memref<1x1x128xi32, #tpu.memory_space<vmem>> -> memref<128xi32, #tpu.memory_space<vmem>>
    %dma_start3A_41 = arith.constant 0 : i32
    %dma_start3A_42 = arith.constant 0 : i32
    %dma_start3A_43 = tpu.memref_slice %arg4[%dma_start3A_41, %dma_start3A_42] : memref<1000000x64xf32, #tpu.memory_space<hbm>> -> memref<1000000x64xf32, #tpu.memory_space<hbm>>
    tpu.enqueue_indirect_dma source(%dma_start3A_43 : memref<1000000x64xf32, #tpu.memory_space<hbm>>) target(%dma_start3A_37 : memref<128x64xf32, #tpu.memory_space<vmem>>) offsets(%dma_start3A_40 : memref<128xi32, #tpu.memory_space<vmem>>) semaphore(%arg11 : memref<!tpu.dma_semaphore, #tpu.memory_space<semaphore_mem>>)
    %dma_start3A_44 = arith.constant 0 : i32
    %dma_start3A_45 = arith.constant 1 : i32
    %dma_start3A_46 = arith.constant 128 : i32
    %dma_start3A_47 = arith.constant 0 : i32
    %dma_start3A_48 = tpu.memref_slice %arg7[%dma_start3A_46, %dma_start3A_47] : memref<512x64xf32, #tpu.memory_space<vmem>> -> memref<128x64xf32, #tpu.memory_space<vmem>>
    %dma_start3A_49 = arith.constant 0 : i32
    %dma_start3A_50 = tpu.memref_slice %arg6[%dma_start3A_44, %dma_start3A_45, %dma_start3A_49] : memref<3x4x128xi32, #tpu.memory_space<vmem>> -> memref<1x1x128xi32, #tpu.memory_space<vmem>>
    %dma_start3A_51 = tpu.memref_squeeze %dma_start3A_50 : memref<1x1x128xi32, #tpu.memory_space<vmem>> -> memref<128xi32, #tpu.memory_space<vmem>>
    %dma_start3A_52 = arith.constant 0 : i32
    %dma_start3A_53 = arith.constant 0 : i32
    %dma_start3A_54 = tpu.memref_slice %arg3[%dma_start3A_52, %dma_start3A_53] : memref<1000000x64xf32, #tpu.memory_space<hbm>> -> memref<1000000x64xf32, #tpu.memory_space<hbm>>
    tpu.enqueue_indirect_dma source(%dma_start3A_54 : memref<1000000x64xf32, #tpu.memory_space<hbm>>) target(%dma_start3A_48 : memref<128x64xf32, #tpu.memory_space<vmem>>) offsets(%dma_start3A_51 : memref<128xi32, #tpu.memory_space<vmem>>) semaphore(%arg11 : memref<!tpu.dma_semaphore, #tpu.memory_space<semaphore_mem>>)
    %dma_start3A_55 = arith.constant 1 : i32
    %dma_start3A_56 = arith.constant 1 : i32
    %dma_start3A_57 = arith.constant 128 : i32
    %dma_start3A_58 = arith.constant 0 : i32
    %dma_start3A_59 = tpu.memref_slice %arg8[%dma_start3A_57, %dma_start3A_58] : memref<512x64xf32, #tpu.memory_space<vmem>> -> memref<128x64xf32, #tpu.memory_space<vmem>>
    %dma_start3A_60 = arith.constant 0 : i32
    %dma_start3A_61 = tpu.memref_slice %arg6[%dma_start3A_55, %dma_start3A_56, %dma_start3A_60] : memref<3x4x128xi32, #tpu.memory_space<vmem>> -> memref<1x1x128xi32, #tpu.memory_space<vmem>>
    %dma_start3A_62 = tpu.memref_squeeze %dma_start3A_61 : memref<1x1x128xi32, #tpu.memory_space<vmem>> -> memref<128xi32, #tpu.memory_space<vmem>>
    %dma_start3A_63 = arith.constant 0 : i32
    %dma_start3A_64 = arith.constant 0 : i32
    %dma_start3A_65 = tpu.memref_slice %arg4[%dma_start3A_63, %dma_start3A_64] : memref<1000000x64xf32, #tpu.memory_space<hbm>> -> memref<1000000x64xf32, #tpu.memory_space<hbm>>
    tpu.enqueue_indirect_dma source(%dma_start3A_65 : memref<1000000x64xf32, #tpu.memory_space<hbm>>) target(%dma_start3A_59 : memref<128x64xf32, #tpu.memory_space<vmem>>) offsets(%dma_start3A_62 : memref<128xi32, #tpu.memory_space<vmem>>) semaphore(%arg11 : memref<!tpu.dma_semaphore, #tpu.memory_space<semaphore_mem>>)
    %dma_start3A_66 = arith.constant 2 : i32
    %dma_start3A_67 = arith.constant 1 : i32
    %dma_start3A_68 = arith.constant 128 : i32
    %dma_start3A_69 = arith.constant 0 : i32
    %dma_start3A_70 = tpu.memref_slice %arg9[%dma_start3A_68, %dma_start3A_69] : memref<512x64xf32, #tpu.memory_space<vmem>> -> memref<128x64xf32, #tpu.memory_space<vmem>>
    %dma_start3A_71 = arith.constant 0 : i32
    %dma_start3A_72 = tpu.memref_slice %arg6[%dma_start3A_66, %dma_start3A_67, %dma_start3A_71] : memref<3x4x128xi32, #tpu.memory_space<vmem>> -> memref<1x1x128xi32, #tpu.memory_space<vmem>>
    %dma_start3A_73 = tpu.memref_squeeze %dma_start3A_72 : memref<1x1x128xi32, #tpu.memory_space<vmem>> -> memref<128xi32, #tpu.memory_space<vmem>>
    %dma_start3A_74 = arith.constant 0 : i32
    %dma_start3A_75 = arith.constant 0 : i32
    %dma_start3A_76 = tpu.memref_slice %arg4[%dma_start3A_74, %dma_start3A_75] : memref<1000000x64xf32, #tpu.memory_space<hbm>> -> memref<1000000x64xf32, #tpu.memory_space<hbm>>
    tpu.enqueue_indirect_dma source(%dma_start3A_76 : memref<1000000x64xf32, #tpu.memory_space<hbm>>) target(%dma_start3A_70 : memref<128x64xf32, #tpu.memory_space<vmem>>) offsets(%dma_start3A_73 : memref<128xi32, #tpu.memory_space<vmem>>) semaphore(%arg11 : memref<!tpu.dma_semaphore, #tpu.memory_space<semaphore_mem>>)
    %dma_start3A_77 = arith.constant 0 : i32
    %dma_start3A_78 = arith.constant 2 : i32
    %dma_start3A_79 = arith.constant 256 : i32
    %dma_start3A_80 = arith.constant 0 : i32
    %dma_start3A_81 = tpu.memref_slice %arg7[%dma_start3A_79, %dma_start3A_80] : memref<512x64xf32, #tpu.memory_space<vmem>> -> memref<128x64xf32, #tpu.memory_space<vmem>>
    %dma_start3A_82 = arith.constant 0 : i32
    %dma_start3A_83 = tpu.memref_slice %arg6[%dma_start3A_77, %dma_start3A_78, %dma_start3A_82] : memref<3x4x128xi32, #tpu.memory_space<vmem>> -> memref<1x1x128xi32, #tpu.memory_space<vmem>>
    %dma_start3A_84 = tpu.memref_squeeze %dma_start3A_83 : memref<1x1x128xi32, #tpu.memory_space<vmem>> -> memref<128xi32, #tpu.memory_space<vmem>>
    %dma_start3A_85 = arith.constant 0 : i32
    %dma_start3A_86 = arith.constant 0 : i32
    %dma_start3A_87 = tpu.memref_slice %arg3[%dma_start3A_85, %dma_start3A_86] : memref<1000000x64xf32, #tpu.memory_space<hbm>> -> memref<1000000x64xf32, #tpu.memory_space<hbm>>
    tpu.enqueue_indirect_dma source(%dma_start3A_87 : memref<1000000x64xf32, #tpu.memory_space<hbm>>) target(%dma_start3A_81 : memref<128x64xf32, #tpu.memory_space<vmem>>) offsets(%dma_start3A_84 : memref<128xi32, #tpu.memory_space<vmem>>) semaphore(%arg11 : memref<!tpu.dma_semaphore, #tpu.memory_space<semaphore_mem>>)
    %dma_start3A_88 = arith.constant 1 : i32
    %dma_start3A_89 = arith.constant 2 : i32
    %dma_start3A_90 = arith.constant 256 : i32
    %dma_start3A_91 = arith.constant 0 : i32
    %dma_start3A_92 = tpu.memref_slice %arg8[%dma_start3A_90, %dma_start3A_91] : memref<512x64xf32, #tpu.memory_space<vmem>> -> memref<128x64xf32, #tpu.memory_space<vmem>>
    %dma_start3A_93 = arith.constant 0 : i32
    %dma_start3A_94 = tpu.memref_slice %arg6[%dma_start3A_88, %dma_start3A_89, %dma_start3A_93] : memref<3x4x128xi32, #tpu.memory_space<vmem>> -> memref<1x1x128xi32, #tpu.memory_space<vmem>>
    %dma_start3A_95 = tpu.memref_squeeze %dma_start3A_94 : memref<1x1x128xi32, #tpu.memory_space<vmem>> -> memref<128xi32, #tpu.memory_space<vmem>>
    %dma_start3A_96 = arith.constant 0 : i32
    %dma_start3A_97 = arith.constant 0 : i32
    %dma_start3A_98 = tpu.memref_slice %arg4[%dma_start3A_96, %dma_start3A_97] : memref<1000000x64xf32, #tpu.memory_space<hbm>> -> memref<1000000x64xf32, #tpu.memory_space<hbm>>
    tpu.enqueue_indirect_dma source(%dma_start3A_98 : memref<1000000x64xf32, #tpu.memory_space<hbm>>) target(%dma_start3A_92 : memref<128x64xf32, #tpu.memory_space<vmem>>) offsets(%dma_start3A_95 : memref<128xi32, #tpu.memory_space<vmem>>) semaphore(%arg11 : memref<!tpu.dma_semaphore, #tpu.memory_space<semaphore_mem>>)
    %dma_start3A_99 = arith.constant 2 : i32
    %dma_start3A_100 = arith.constant 2 : i32
    %dma_start3A_101 = arith.constant 256 : i32
    %dma_start3A_102 = arith.constant 0 : i32
    %dma_start3A_103 = tpu.memref_slice %arg9[%dma_start3A_101, %dma_start3A_102] : memref<512x64xf32, #tpu.memory_space<vmem>> -> memref<128x64xf32, #tpu.memory_space<vmem>>
    %dma_start3A_104 = arith.constant 0 : i32
    %dma_start3A_105 = tpu.memref_slice %arg6[%dma_start3A_99, %dma_start3A_100, %dma_start3A_104] : memref<3x4x128xi32, #tpu.memory_space<vmem>> -> memref<1x1x128xi32, #tpu.memory_space<vmem>>
    %dma_start3A_106 = tpu.memref_squeeze %dma_start3A_105 : memref<1x1x128xi32, #tpu.memory_space<vmem>> -> memref<128xi32, #tpu.memory_space<vmem>>
    %dma_start3A_107 = arith.constant 0 : i32
    %dma_start3A_108 = arith.constant 0 : i32
    %dma_start3A_109 = tpu.memref_slice %arg4[%dma_start3A_107, %dma_start3A_108] : memref<1000000x64xf32, #tpu.memory_space<hbm>> -> memref<1000000x64xf32, #tpu.memory_space<hbm>>
    tpu.enqueue_indirect_dma source(%dma_start3A_109 : memref<1000000x64xf32, #tpu.memory_space<hbm>>) target(%dma_start3A_103 : memref<128x64xf32, #tpu.memory_space<vmem>>) offsets(%dma_start3A_106 : memref<128xi32, #tpu.memory_space<vmem>>) semaphore(%arg11 : memref<!tpu.dma_semaphore, #tpu.memory_space<semaphore_mem>>)
    %dma_start3A_110 = arith.constant 0 : i32
    %dma_start3A_111 = arith.constant 3 : i32
    %dma_start3A_112 = arith.constant 384 : i32
    %dma_start3A_113 = arith.constant 0 : i32
    %dma_start3A_114 = tpu.memref_slice %arg7[%dma_start3A_112, %dma_start3A_113] : memref<512x64xf32, #tpu.memory_space<vmem>> -> memref<128x64xf32, #tpu.memory_space<vmem>>
    %dma_start3A_115 = arith.constant 0 : i32
    %dma_start3A_116 = tpu.memref_slice %arg6[%dma_start3A_110, %dma_start3A_111, %dma_start3A_115] : memref<3x4x128xi32, #tpu.memory_space<vmem>> -> memref<1x1x128xi32, #tpu.memory_space<vmem>>
    %dma_start3A_117 = tpu.memref_squeeze %dma_start3A_116 : memref<1x1x128xi32, #tpu.memory_space<vmem>> -> memref<128xi32, #tpu.memory_space<vmem>>
    %dma_start3A_118 = arith.constant 0 : i32
    %dma_start3A_119 = arith.constant 0 : i32
    %dma_start3A_120 = tpu.memref_slice %arg3[%dma_start3A_118, %dma_start3A_119] : memref<1000000x64xf32, #tpu.memory_space<hbm>> -> memref<1000000x64xf32, #tpu.memory_space<hbm>>
    tpu.enqueue_indirect_dma source(%dma_start3A_120 : memref<1000000x64xf32, #tpu.memory_space<hbm>>) target(%dma_start3A_114 : memref<128x64xf32, #tpu.memory_space<vmem>>) offsets(%dma_start3A_117 : memref<128xi32, #tpu.memory_space<vmem>>) semaphore(%arg11 : memref<!tpu.dma_semaphore, #tpu.memory_space<semaphore_mem>>)
    %dma_start3A_121 = arith.constant 1 : i32
    %dma_start3A_122 = arith.constant 3 : i32
    %dma_start3A_123 = arith.constant 384 : i32
    %dma_start3A_124 = arith.constant 0 : i32
    %dma_start3A_125 = tpu.memref_slice %arg8[%dma_start3A_123, %dma_start3A_124] : memref<512x64xf32, #tpu.memory_space<vmem>> -> memref<128x64xf32, #tpu.memory_space<vmem>>
    %dma_start3A_126 = arith.constant 0 : i32
    %dma_start3A_127 = tpu.memref_slice %arg6[%dma_start3A_121, %dma_start3A_122, %dma_start3A_126] : memref<3x4x128xi32, #tpu.memory_space<vmem>> -> memref<1x1x128xi32, #tpu.memory_space<vmem>>
    %dma_start3A_128 = tpu.memref_squeeze %dma_start3A_127 : memref<1x1x128xi32, #tpu.memory_space<vmem>> -> memref<128xi32, #tpu.memory_space<vmem>>
    %dma_start3A_129 = arith.constant 0 : i32
    %dma_start3A_130 = arith.constant 0 : i32
    %dma_start3A_131 = tpu.memref_slice %arg4[%dma_start3A_129, %dma_start3A_130] : memref<1000000x64xf32, #tpu.memory_space<hbm>> -> memref<1000000x64xf32, #tpu.memory_space<hbm>>
    tpu.enqueue_indirect_dma source(%dma_start3A_131 : memref<1000000x64xf32, #tpu.memory_space<hbm>>) target(%dma_start3A_125 : memref<128x64xf32, #tpu.memory_space<vmem>>) offsets(%dma_start3A_128 : memref<128xi32, #tpu.memory_space<vmem>>) semaphore(%arg11 : memref<!tpu.dma_semaphore, #tpu.memory_space<semaphore_mem>>)
    %dma_start3A_132 = arith.constant 2 : i32
    %dma_start3A_133 = arith.constant 3 : i32
    %dma_start3A_134 = arith.constant 384 : i32
    %dma_start3A_135 = arith.constant 0 : i32
    %dma_start3A_136 = tpu.memref_slice %arg9[%dma_start3A_134, %dma_start3A_135] : memref<512x64xf32, #tpu.memory_space<vmem>> -> memref<128x64xf32, #tpu.memory_space<vmem>>
    %dma_start3A_137 = arith.constant 0 : i32
    %dma_start3A_138 = tpu.memref_slice %arg6[%dma_start3A_132, %dma_start3A_133, %dma_start3A_137] : memref<3x4x128xi32, #tpu.memory_space<vmem>> -> memref<1x1x128xi32, #tpu.memory_space<vmem>>
    %dma_start3A_139 = tpu.memref_squeeze %dma_start3A_138 : memref<1x1x128xi32, #tpu.memory_space<vmem>> -> memref<128xi32, #tpu.memory_space<vmem>>
    %dma_start3A_140 = arith.constant 0 : i32
    %dma_start3A_141 = arith.constant 0 : i32
    %dma_start3A_142 = tpu.memref_slice %arg4[%dma_start3A_140, %dma_start3A_141] : memref<1000000x64xf32, #tpu.memory_space<hbm>> -> memref<1000000x64xf32, #tpu.memory_space<hbm>>
    tpu.enqueue_indirect_dma source(%dma_start3A_142 : memref<1000000x64xf32, #tpu.memory_space<hbm>>) target(%dma_start3A_136 : memref<128x64xf32, #tpu.memory_space<vmem>>) offsets(%dma_start3A_139 : memref<128xi32, #tpu.memory_space<vmem>>) semaphore(%arg11 : memref<!tpu.dma_semaphore, #tpu.memory_space<semaphore_mem>>)
    %dma_wait3A = arith.constant 0 : i32
    %dma_wait3A_143 = arith.constant 0 : i32
    %dma_wait3A_144 = arith.constant 0 : i32
    %dma_wait3A_145 = arith.constant 0 : i32
    %dma_wait3A_146 = tpu.memref_slice %arg7[%dma_wait3A_144, %dma_wait3A_145] : memref<512x64xf32, #tpu.memory_space<vmem>> -> memref<128x64xf32, #tpu.memory_space<vmem>>
    %dma_wait3A_147 = arith.constant 0 : i32
    %dma_wait3A_148 = tpu.memref_slice %arg6[%dma_wait3A, %dma_wait3A_143, %dma_wait3A_147] : memref<3x4x128xi32, #tpu.memory_space<vmem>> -> memref<1x1x128xi32, #tpu.memory_space<vmem>>
    %dma_wait3A_149 = tpu.memref_squeeze %dma_wait3A_148 : memref<1x1x128xi32, #tpu.memory_space<vmem>> -> memref<128xi32, #tpu.memory_space<vmem>>
    %dma_wait3A_150 = arith.constant 0 : i32
    %dma_wait3A_151 = arith.constant 0 : i32
    %dma_wait3A_152 = tpu.memref_slice %arg3[%dma_wait3A_150, %dma_wait3A_151] : memref<1000000x64xf32, #tpu.memory_space<hbm>> -> memref<1000000x64xf32, #tpu.memory_space<hbm>>
    tpu.wait_indirect_dma semaphore(%arg11 : memref<!tpu.dma_semaphore, #tpu.memory_space<semaphore_mem>>) src(%dma_wait3A_152 : memref<1000000x64xf32, #tpu.memory_space<hbm>>) dst(%dma_wait3A_146 : memref<128x64xf32, #tpu.memory_space<vmem>>)
    %dma_wait3A_153 = arith.constant 1 : i32
    %dma_wait3A_154 = arith.constant 0 : i32
    %dma_wait3A_155 = arith.constant 0 : i32
    %dma_wait3A_156 = arith.constant 0 : i32
    %dma_wait3A_157 = tpu.memref_slice %arg8[%dma_wait3A_155, %dma_wait3A_156] : memref<512x64xf32, #tpu.memory_space<vmem>> -> memref<128x64xf32, #tpu.memory_space<vmem>>
    %dma_wait3A_158 = arith.constant 0 : i32
    %dma_wait3A_159 = tpu.memref_slice %arg6[%dma_wait3A_153, %dma_wait3A_154, %dma_wait3A_158] : memref<3x4x128xi32, #tpu.memory_space<vmem>> -> memref<1x1x128xi32, #tpu.memory_space<vmem>>
    %dma_wait3A_160 = tpu.memref_squeeze %dma_wait3A_159 : memref<1x1x128xi32, #tpu.memory_space<vmem>> -> memref<128xi32, #tpu.memory_space<vmem>>
    %dma_wait3A_161 = arith.constant 0 : i32
    %dma_wait3A_162 = arith.constant 0 : i32
    %dma_wait3A_163 = tpu.memref_slice %arg4[%dma_wait3A_161, %dma_wait3A_162] : memref<1000000x64xf32, #tpu.memory_space<hbm>> -> memref<1000000x64xf32, #tpu.memory_space<hbm>>
    tpu.wait_indirect_dma semaphore(%arg11 : memref<!tpu.dma_semaphore, #tpu.memory_space<semaphore_mem>>) src(%dma_wait3A_163 : memref<1000000x64xf32, #tpu.memory_space<hbm>>) dst(%dma_wait3A_157 : memref<128x64xf32, #tpu.memory_space<vmem>>)
    %dma_wait3A_164 = arith.constant 2 : i32
    %dma_wait3A_165 = arith.constant 0 : i32
    %dma_wait3A_166 = arith.constant 0 : i32
    %dma_wait3A_167 = arith.constant 0 : i32
    %dma_wait3A_168 = tpu.memref_slice %arg9[%dma_wait3A_166, %dma_wait3A_167] : memref<512x64xf32, #tpu.memory_space<vmem>> -> memref<128x64xf32, #tpu.memory_space<vmem>>
    %dma_wait3A_169 = arith.constant 0 : i32
    %dma_wait3A_170 = tpu.memref_slice %arg6[%dma_wait3A_164, %dma_wait3A_165, %dma_wait3A_169] : memref<3x4x128xi32, #tpu.memory_space<vmem>> -> memref<1x1x128xi32, #tpu.memory_space<vmem>>
    %dma_wait3A_171 = tpu.memref_squeeze %dma_wait3A_170 : memref<1x1x128xi32, #tpu.memory_space<vmem>> -> memref<128xi32, #tpu.memory_space<vmem>>
    %dma_wait3A_172 = arith.constant 0 : i32
    %dma_wait3A_173 = arith.constant 0 : i32
    %dma_wait3A_174 = tpu.memref_slice %arg4[%dma_wait3A_172, %dma_wait3A_173] : memref<1000000x64xf32, #tpu.memory_space<hbm>> -> memref<1000000x64xf32, #tpu.memory_space<hbm>>
    tpu.wait_indirect_dma semaphore(%arg11 : memref<!tpu.dma_semaphore, #tpu.memory_space<semaphore_mem>>) src(%dma_wait3A_174 : memref<1000000x64xf32, #tpu.memory_space<hbm>>) dst(%dma_wait3A_168 : memref<128x64xf32, #tpu.memory_space<vmem>>)
    %dma_wait3A_175 = arith.constant 0 : i32
    %dma_wait3A_176 = arith.constant 1 : i32
    %dma_wait3A_177 = arith.constant 128 : i32
    %dma_wait3A_178 = arith.constant 0 : i32
    %dma_wait3A_179 = tpu.memref_slice %arg7[%dma_wait3A_177, %dma_wait3A_178] : memref<512x64xf32, #tpu.memory_space<vmem>> -> memref<128x64xf32, #tpu.memory_space<vmem>>
    %dma_wait3A_180 = arith.constant 0 : i32
    %dma_wait3A_181 = tpu.memref_slice %arg6[%dma_wait3A_175, %dma_wait3A_176, %dma_wait3A_180] : memref<3x4x128xi32, #tpu.memory_space<vmem>> -> memref<1x1x128xi32, #tpu.memory_space<vmem>>
    %dma_wait3A_182 = tpu.memref_squeeze %dma_wait3A_181 : memref<1x1x128xi32, #tpu.memory_space<vmem>> -> memref<128xi32, #tpu.memory_space<vmem>>
    %dma_wait3A_183 = arith.constant 0 : i32
    %dma_wait3A_184 = arith.constant 0 : i32
    %dma_wait3A_185 = tpu.memref_slice %arg3[%dma_wait3A_183, %dma_wait3A_184] : memref<1000000x64xf32, #tpu.memory_space<hbm>> -> memref<1000000x64xf32, #tpu.memory_space<hbm>>
    tpu.wait_indirect_dma semaphore(%arg11 : memref<!tpu.dma_semaphore, #tpu.memory_space<semaphore_mem>>) src(%dma_wait3A_185 : memref<1000000x64xf32, #tpu.memory_space<hbm>>) dst(%dma_wait3A_179 : memref<128x64xf32, #tpu.memory_space<vmem>>)
    %dma_wait3A_186 = arith.constant 1 : i32
    %dma_wait3A_187 = arith.constant 1 : i32
    %dma_wait3A_188 = arith.constant 128 : i32
    %dma_wait3A_189 = arith.constant 0 : i32
    %dma_wait3A_190 = tpu.memref_slice %arg8[%dma_wait3A_188, %dma_wait3A_189] : memref<512x64xf32, #tpu.memory_space<vmem>> -> memref<128x64xf32, #tpu.memory_space<vmem>>
    %dma_wait3A_191 = arith.constant 0 : i32
    %dma_wait3A_192 = tpu.memref_slice %arg6[%dma_wait3A_186, %dma_wait3A_187, %dma_wait3A_191] : memref<3x4x128xi32, #tpu.memory_space<vmem>> -> memref<1x1x128xi32, #tpu.memory_space<vmem>>
    %dma_wait3A_193 = tpu.memref_squeeze %dma_wait3A_192 : memref<1x1x128xi32, #tpu.memory_space<vmem>> -> memref<128xi32, #tpu.memory_space<vmem>>
    %dma_wait3A_194 = arith.constant 0 : i32
    %dma_wait3A_195 = arith.constant 0 : i32
    %dma_wait3A_196 = tpu.memref_slice %arg4[%dma_wait3A_194, %dma_wait3A_195] : memref<1000000x64xf32, #tpu.memory_space<hbm>> -> memref<1000000x64xf32, #tpu.memory_space<hbm>>
    tpu.wait_indirect_dma semaphore(%arg11 : memref<!tpu.dma_semaphore, #tpu.memory_space<semaphore_mem>>) src(%dma_wait3A_196 : memref<1000000x64xf32, #tpu.memory_space<hbm>>) dst(%dma_wait3A_190 : memref<128x64xf32, #tpu.memory_space<vmem>>)
    %dma_wait3A_197 = arith.constant 2 : i32
    %dma_wait3A_198 = arith.constant 1 : i32
    %dma_wait3A_199 = arith.constant 128 : i32
    %dma_wait3A_200 = arith.constant 0 : i32
    %dma_wait3A_201 = tpu.memref_slice %arg9[%dma_wait3A_199, %dma_wait3A_200] : memref<512x64xf32, #tpu.memory_space<vmem>> -> memref<128x64xf32, #tpu.memory_space<vmem>>
    %dma_wait3A_202 = arith.constant 0 : i32
    %dma_wait3A_203 = tpu.memref_slice %arg6[%dma_wait3A_197, %dma_wait3A_198, %dma_wait3A_202] : memref<3x4x128xi32, #tpu.memory_space<vmem>> -> memref<1x1x128xi32, #tpu.memory_space<vmem>>
    %dma_wait3A_204 = tpu.memref_squeeze %dma_wait3A_203 : memref<1x1x128xi32, #tpu.memory_space<vmem>> -> memref<128xi32, #tpu.memory_space<vmem>>
    %dma_wait3A_205 = arith.constant 0 : i32
    %dma_wait3A_206 = arith.constant 0 : i32
    %dma_wait3A_207 = tpu.memref_slice %arg4[%dma_wait3A_205, %dma_wait3A_206] : memref<1000000x64xf32, #tpu.memory_space<hbm>> -> memref<1000000x64xf32, #tpu.memory_space<hbm>>
    tpu.wait_indirect_dma semaphore(%arg11 : memref<!tpu.dma_semaphore, #tpu.memory_space<semaphore_mem>>) src(%dma_wait3A_207 : memref<1000000x64xf32, #tpu.memory_space<hbm>>) dst(%dma_wait3A_201 : memref<128x64xf32, #tpu.memory_space<vmem>>)
    %dma_wait3A_208 = arith.constant 0 : i32
    %dma_wait3A_209 = arith.constant 2 : i32
    %dma_wait3A_210 = arith.constant 256 : i32
    %dma_wait3A_211 = arith.constant 0 : i32
    %dma_wait3A_212 = tpu.memref_slice %arg7[%dma_wait3A_210, %dma_wait3A_211] : memref<512x64xf32, #tpu.memory_space<vmem>> -> memref<128x64xf32, #tpu.memory_space<vmem>>
    %dma_wait3A_213 = arith.constant 0 : i32
    %dma_wait3A_214 = tpu.memref_slice %arg6[%dma_wait3A_208, %dma_wait3A_209, %dma_wait3A_213] : memref<3x4x128xi32, #tpu.memory_space<vmem>> -> memref<1x1x128xi32, #tpu.memory_space<vmem>>
    %dma_wait3A_215 = tpu.memref_squeeze %dma_wait3A_214 : memref<1x1x128xi32, #tpu.memory_space<vmem>> -> memref<128xi32, #tpu.memory_space<vmem>>
    %dma_wait3A_216 = arith.constant 0 : i32
    %dma_wait3A_217 = arith.constant 0 : i32
    %dma_wait3A_218 = tpu.memref_slice %arg3[%dma_wait3A_216, %dma_wait3A_217] : memref<1000000x64xf32, #tpu.memory_space<hbm>> -> memref<1000000x64xf32, #tpu.memory_space<hbm>>
    tpu.wait_indirect_dma semaphore(%arg11 : memref<!tpu.dma_semaphore, #tpu.memory_space<semaphore_mem>>) src(%dma_wait3A_218 : memref<1000000x64xf32, #tpu.memory_space<hbm>>) dst(%dma_wait3A_212 : memref<128x64xf32, #tpu.memory_space<vmem>>)
    %dma_wait3A_219 = arith.constant 1 : i32
    %dma_wait3A_220 = arith.constant 2 : i32
    %dma_wait3A_221 = arith.constant 256 : i32
    %dma_wait3A_222 = arith.constant 0 : i32
    %dma_wait3A_223 = tpu.memref_slice %arg8[%dma_wait3A_221, %dma_wait3A_222] : memref<512x64xf32, #tpu.memory_space<vmem>> -> memref<128x64xf32, #tpu.memory_space<vmem>>
    %dma_wait3A_224 = arith.constant 0 : i32
    %dma_wait3A_225 = tpu.memref_slice %arg6[%dma_wait3A_219, %dma_wait3A_220, %dma_wait3A_224] : memref<3x4x128xi32, #tpu.memory_space<vmem>> -> memref<1x1x128xi32, #tpu.memory_space<vmem>>
    %dma_wait3A_226 = tpu.memref_squeeze %dma_wait3A_225 : memref<1x1x128xi32, #tpu.memory_space<vmem>> -> memref<128xi32, #tpu.memory_space<vmem>>
    %dma_wait3A_227 = arith.constant 0 : i32
    %dma_wait3A_228 = arith.constant 0 : i32
    %dma_wait3A_229 = tpu.memref_slice %arg4[%dma_wait3A_227, %dma_wait3A_228] : memref<1000000x64xf32, #tpu.memory_space<hbm>> -> memref<1000000x64xf32, #tpu.memory_space<hbm>>
    tpu.wait_indirect_dma semaphore(%arg11 : memref<!tpu.dma_semaphore, #tpu.memory_space<semaphore_mem>>) src(%dma_wait3A_229 : memref<1000000x64xf32, #tpu.memory_space<hbm>>) dst(%dma_wait3A_223 : memref<128x64xf32, #tpu.memory_space<vmem>>)
    %dma_wait3A_230 = arith.constant 2 : i32
    %dma_wait3A_231 = arith.constant 2 : i32
    %dma_wait3A_232 = arith.constant 256 : i32
    %dma_wait3A_233 = arith.constant 0 : i32
    %dma_wait3A_234 = tpu.memref_slice %arg9[%dma_wait3A_232, %dma_wait3A_233] : memref<512x64xf32, #tpu.memory_space<vmem>> -> memref<128x64xf32, #tpu.memory_space<vmem>>
    %dma_wait3A_235 = arith.constant 0 : i32
    %dma_wait3A_236 = tpu.memref_slice %arg6[%dma_wait3A_230, %dma_wait3A_231, %dma_wait3A_235] : memref<3x4x128xi32, #tpu.memory_space<vmem>> -> memref<1x1x128xi32, #tpu.memory_space<vmem>>
    %dma_wait3A_237 = tpu.memref_squeeze %dma_wait3A_236 : memref<1x1x128xi32, #tpu.memory_space<vmem>> -> memref<128xi32, #tpu.memory_space<vmem>>
    %dma_wait3A_238 = arith.constant 0 : i32
    %dma_wait3A_239 = arith.constant 0 : i32
    %dma_wait3A_240 = tpu.memref_slice %arg4[%dma_wait3A_238, %dma_wait3A_239] : memref<1000000x64xf32, #tpu.memory_space<hbm>> -> memref<1000000x64xf32, #tpu.memory_space<hbm>>
    tpu.wait_indirect_dma semaphore(%arg11 : memref<!tpu.dma_semaphore, #tpu.memory_space<semaphore_mem>>) src(%dma_wait3A_240 : memref<1000000x64xf32, #tpu.memory_space<hbm>>) dst(%dma_wait3A_234 : memref<128x64xf32, #tpu.memory_space<vmem>>)
    %dma_wait3A_241 = arith.constant 0 : i32
    %dma_wait3A_242 = arith.constant 3 : i32
    %dma_wait3A_243 = arith.constant 384 : i32
    %dma_wait3A_244 = arith.constant 0 : i32
    %dma_wait3A_245 = tpu.memref_slice %arg7[%dma_wait3A_243, %dma_wait3A_244] : memref<512x64xf32, #tpu.memory_space<vmem>> -> memref<128x64xf32, #tpu.memory_space<vmem>>
    %dma_wait3A_246 = arith.constant 0 : i32
    %dma_wait3A_247 = tpu.memref_slice %arg6[%dma_wait3A_241, %dma_wait3A_242, %dma_wait3A_246] : memref<3x4x128xi32, #tpu.memory_space<vmem>> -> memref<1x1x128xi32, #tpu.memory_space<vmem>>
    %dma_wait3A_248 = tpu.memref_squeeze %dma_wait3A_247 : memref<1x1x128xi32, #tpu.memory_space<vmem>> -> memref<128xi32, #tpu.memory_space<vmem>>
    %dma_wait3A_249 = arith.constant 0 : i32
    %dma_wait3A_250 = arith.constant 0 : i32
    %dma_wait3A_251 = tpu.memref_slice %arg3[%dma_wait3A_249, %dma_wait3A_250] : memref<1000000x64xf32, #tpu.memory_space<hbm>> -> memref<1000000x64xf32, #tpu.memory_space<hbm>>
    tpu.wait_indirect_dma semaphore(%arg11 : memref<!tpu.dma_semaphore, #tpu.memory_space<semaphore_mem>>) src(%dma_wait3A_251 : memref<1000000x64xf32, #tpu.memory_space<hbm>>) dst(%dma_wait3A_245 : memref<128x64xf32, #tpu.memory_space<vmem>>)
    %dma_wait3A_252 = arith.constant 1 : i32
    %dma_wait3A_253 = arith.constant 3 : i32
    %dma_wait3A_254 = arith.constant 384 : i32
    %dma_wait3A_255 = arith.constant 0 : i32
    %dma_wait3A_256 = tpu.memref_slice %arg8[%dma_wait3A_254, %dma_wait3A_255] : memref<512x64xf32, #tpu.memory_space<vmem>> -> memref<128x64xf32, #tpu.memory_space<vmem>>
    %dma_wait3A_257 = arith.constant 0 : i32
    %dma_wait3A_258 = tpu.memref_slice %arg6[%dma_wait3A_252, %dma_wait3A_253, %dma_wait3A_257] : memref<3x4x128xi32, #tpu.memory_space<vmem>> -> memref<1x1x128xi32, #tpu.memory_space<vmem>>
    %dma_wait3A_259 = tpu.memref_squeeze %dma_wait3A_258 : memref<1x1x128xi32, #tpu.memory_space<vmem>> -> memref<128xi32, #tpu.memory_space<vmem>>
    %dma_wait3A_260 = arith.constant 0 : i32
    %dma_wait3A_261 = arith.constant 0 : i32
    %dma_wait3A_262 = tpu.memref_slice %arg4[%dma_wait3A_260, %dma_wait3A_261] : memref<1000000x64xf32, #tpu.memory_space<hbm>> -> memref<1000000x64xf32, #tpu.memory_space<hbm>>
    tpu.wait_indirect_dma semaphore(%arg11 : memref<!tpu.dma_semaphore, #tpu.memory_space<semaphore_mem>>) src(%dma_wait3A_262 : memref<1000000x64xf32, #tpu.memory_space<hbm>>) dst(%dma_wait3A_256 : memref<128x64xf32, #tpu.memory_space<vmem>>)
    %dma_wait3A_263 = arith.constant 2 : i32
    %dma_wait3A_264 = arith.constant 3 : i32
    %dma_wait3A_265 = arith.constant 384 : i32
    %dma_wait3A_266 = arith.constant 0 : i32
    %dma_wait3A_267 = tpu.memref_slice %arg9[%dma_wait3A_265, %dma_wait3A_266] : memref<512x64xf32, #tpu.memory_space<vmem>> -> memref<128x64xf32, #tpu.memory_space<vmem>>
    %dma_wait3A_268 = arith.constant 0 : i32
    %dma_wait3A_269 = tpu.memref_slice %arg6[%dma_wait3A_263, %dma_wait3A_264, %dma_wait3A_268] : memref<3x4x128xi32, #tpu.memory_space<vmem>> -> memref<1x1x128xi32, #tpu.memory_space<vmem>>
    %dma_wait3A_270 = tpu.memref_squeeze %dma_wait3A_269 : memref<1x1x128xi32, #tpu.memory_space<vmem>> -> memref<128xi32, #tpu.memory_space<vmem>>
    %dma_wait3A_271 = arith.constant 0 : i32
    %dma_wait3A_272 = arith.constant 0 : i32
    %dma_wait3A_273 = tpu.memref_slice %arg4[%dma_wait3A_271, %dma_wait3A_272] : memref<1000000x64xf32, #tpu.memory_space<hbm>> -> memref<1000000x64xf32, #tpu.memory_space<hbm>>
    tpu.wait_indirect_dma semaphore(%arg11 : memref<!tpu.dma_semaphore, #tpu.memory_space<semaphore_mem>>) src(%dma_wait3A_273 : memref<1000000x64xf32, #tpu.memory_space<hbm>>) dst(%dma_wait3A_267 : memref<128x64xf32, #tpu.memory_space<vmem>>)
    %iota3A = tpu.iota {dimensions = array<i32: 0>} : vector<16xi32>
    %broadcast_in_dim3A = arith.constant 0.000000e+00 : f32
    %broadcast_in_dim3A_274 = vector.broadcast %broadcast_in_dim3A : f32 to vector<16xf32>
    %scan3A = arith.constant 0 : i32
    %scan3A_275 = arith.constant 32 : i32
    %scan3A_276 = arith.addi %scan3A, %scan3A_275 : i32
    %scan3A_277 = arith.constant 1 : i32
    %scan3A_278 = scf.for %scan3A_290 = %scan3A to %scan3A_276 step %scan3A_277 iter_args(%scan3A_291 = %broadcast_in_dim3A_274) -> (vector<16xf32>)  : i32 {
      %mul3A_292 = arith.constant 16 : i32
      %mul3A_293 = arith.muli %scan3A_290, %mul3A_292 : i32
      %add3A_294 = vector.broadcast %mul3A_293 : i32 to vector<16xi32>
      %add3A_295 = arith.addi %add3A_294, %iota3A : vector<16xi32>
      %broadcast_in_dim3A_296 = arith.constant 0.000000e+00 : f32
      %broadcast_in_dim3A_297 = vector.broadcast %broadcast_in_dim3A_296 : f32 to vector<16xf32>
      %scan3A_298 = arith.constant 0 : i32
      %scan3A_299 = arith.constant 64 : i32
      %scan3A_300 = arith.addi %scan3A_298, %scan3A_299 : i32
      %scan3A_301 = arith.constant 1 : i32
      %scan3A_302 = scf.for %scan3A_339 = %scan3A_298 to %scan3A_300 step %scan3A_301 iter_args(%scan3A_340 = %broadcast_in_dim3A_297) -> (vector<16xf32>)  : i32 {
        %broadcast_in_dim3A_341 = arith.constant 0 : i32
        %broadcast_in_dim3A_342 = vector.broadcast %broadcast_in_dim3A_341 : i32 to vector<16xi32>
        %add3A_343 = vector.broadcast %scan3A_339 : i32 to vector<16xi32>
        %add3A_344 = arith.addi %broadcast_in_dim3A_342, %add3A_343 : vector<16xi32>
        %gather3A = tpu.vector_load_idx %arg7[%add3A_295, %add3A_344] : memref<512x64xf32, #tpu.memory_space<vmem>>[vector<16xi32>, vector<16xi32>], vector<16xf32>,
        %gather3A_345 = tpu.vector_load_idx %arg8[%add3A_295, %add3A_344] : memref<512x64xf32, #tpu.memory_space<vmem>>[vector<16xi32>, vector<16xi32>], vector<16xf32>,
        %gather3A_346 = tpu.vector_load_idx %arg9[%add3A_295, %add3A_344] : memref<512x64xf32, #tpu.memory_space<vmem>>[vector<16xi32>, vector<16xi32>], vector<16xf32>,
        %sub3A = arith.subf %gather3A_345, %gather3A_346 : vector<16xf32>
        %mul3A_347 = arith.mulf %gather3A, %sub3A : vector<16xf32>
        %add3A_348 = arith.addf %scan3A_340, %mul3A_347 : vector<16xf32>
        scf.yield %add3A_348 : vector<16xf32>
      }
      %scan3A_303 = arith.constant 64 : i32
      %abs3A = math.absf %scan3A_302 : vector<16xf32>
      %neg3A = arith.constant 0.000000e+00 : f32
      %neg3A_304 = vector.broadcast %neg3A : f32 to vector<16xf32>
      %neg3A_305 = arith.subf %neg3A_304, %abs3A : vector<16xf32>
      %exp3A = math.exp %neg3A_305 : vector<16xf32>
      %add3A_306 = arith.constant 2.000000e+00 : f32
      %add3A_307 = vector.broadcast %add3A_306 : f32 to vector<16xf32>
      %add3A_308 = arith.addf %add3A_307, %exp3A : vector<16xf32>
      %div3A = arith.divf %exp3A, %add3A_308 : vector<16xf32>
      %mul3A_309 = arith.mulf %div3A, %div3A : vector<16xf32>
      %mul3A_310 = arith.constant 2.000000e+00 : f32
      %mul3A_311 = vector.broadcast %mul3A_310 : f32 to vector<16xf32>
      %mul3A_312 = arith.mulf %mul3A_311, %div3A : vector<16xf32>
      %mul3A_313 = arith.constant 0.111111112 : f32
      %mul3A_314 = vector.broadcast %mul3A_313 : f32 to vector<16xf32>
      %mul3A_315 = arith.mulf %mul3A_309, %mul3A_314 : vector<16xf32>
      %add3A_316 = arith.constant 0.142857149 : f32
      %add3A_317 = vector.broadcast %add3A_316 : f32 to vector<16xf32>
      %add3A_318 = arith.addf %add3A_317, %mul3A_315 : vector<16xf32>
      %mul3A_319 = arith.mulf %mul3A_309, %add3A_318 : vector<16xf32>
      %add3A_320 = arith.constant 2.000000e-01 : f32
      %add3A_321 = vector.broadcast %add3A_320 : f32 to vector<16xf32>
      %add3A_322 = arith.addf %add3A_321, %mul3A_319 : vector<16xf32>
      %mul3A_323 = arith.mulf %mul3A_309, %add3A_322 : vector<16xf32>
      %add3A_324 = arith.constant 0.333333343 : f32
      %add3A_325 = vector.broadcast %add3A_324 : f32 to vector<16xf32>
      %add3A_326 = arith.addf %add3A_325, %mul3A_323 : vector<16xf32>
      %mul3A_327 = arith.mulf %mul3A_309, %add3A_326 : vector<16xf32>
      %add3A_328 = arith.constant 1.000000e+00 : f32
      %add3A_329 = vector.broadcast %add3A_328 : f32 to vector<16xf32>
      %add3A_330 = arith.addf %add3A_329, %mul3A_327 : vector<16xf32>
      %mul3A_331 = arith.mulf %mul3A_312, %add3A_330 : vector<16xf32>
      %neg3A_332 = arith.constant 0.000000e+00 : f32
      %neg3A_333 = vector.broadcast %neg3A_332 : f32 to vector<16xf32>
      %neg3A_334 = arith.subf %neg3A_333, %scan3A_302 : vector<16xf32>
      %max3A = arith.constant 0.000000e+00 : f32
      %max3A_335 = vector.broadcast %max3A : f32 to vector<16xf32>
      %max3A_336 = arith.maximumf %neg3A_334, %max3A_335 : vector<16xf32>
      %add3A_337 = arith.addf %scan3A_291, %max3A_336 : vector<16xf32>
      %add3A_338 = arith.addf %add3A_337, %mul3A_331 : vector<16xf32>
      scf.yield %add3A_338 : vector<16xf32>
    }
    %scan3A_279 = arith.constant 32 : i32
    %reduce_sum3A = arith.constant true
    %reduce_sum3A_280 = vector.broadcast %reduce_sum3A : i1 to vector<16xi1>
    %reduce_sum3A_281 = tpu.scan <sum>, %scan3A_278 masked %reduce_sum3A_280 : vector<16xf32>, vector<16xi1> -> vector<16xf32>
    %reduce_sum3A_282 = vector.extract %reduce_sum3A_281[15] : f32 from vector<16xf32>
    %broadcast_in_dim3A_283 = arith.constant 0.000000e+00 : f32
    %broadcast_in_dim3A_284 = vector.broadcast %broadcast_in_dim3A_283 : f32 to vector<16xf32>
    %add3A_285 = vector.broadcast %reduce_sum3A_282 : f32 to vector<16xf32>
    %add3A_286 = arith.addf %broadcast_in_dim3A_284, %add3A_285 : vector<16xf32>
    %swap3A = arith.constant 0 : index
    %swap3A_287 = tpu.vector_load %arg10[%swap3A] {strides = array<i32>} : memref<16xf32, #tpu.memory_space<vmem>>, vector<16xf32>,
    tpu.vector_store %arg10[%swap3A], %add3A_286 {strides = array<i32>} : memref<16xf32, #tpu.memory_space<vmem>>, vector<16xf32>,
    %mul3A_288 = arith.constant 16 : i32
    %mul3A_289 = arith.muli %add3A, %mul3A_288 : i32
    "tpu.region"() ({
      %run_scoped3A_290 = tpu.sem_alloc : memref<!tpu.dma_semaphore, #tpu.memory_space<semaphore_mem>>
      %dma_start3A_291 = tpu.memref_slice %arg5[%mul3A_289] : memref<512xf32, #tpu.memory_space<hbm>> -> memref<16xf32, #tpu.memory_space<hbm>>
      %dma_start3A_292 = tpu.memref_slice %arg5[%mul3A_289] : memref<512xf32, #tpu.memory_space<hbm>> -> memref<16xf32, #tpu.memory_space<hbm>>
      tpu.enqueue_dma source(%arg10 : memref<16xf32, #tpu.memory_space<vmem>>) target(%dma_start3A_292 : memref<16xf32, #tpu.memory_space<hbm>>) target_semaphore(%run_scoped3A_290 : memref<!tpu.dma_semaphore, #tpu.memory_space<semaphore_mem>>)
      %dma_wait3A_293 = tpu.memref_slice %arg5[%mul3A_289] : memref<512xf32, #tpu.memory_space<hbm>> -> memref<16xf32, #tpu.memory_space<hbm>>
      %dma_wait3A_294 = tpu.memref_slice %arg5[%mul3A_289] : memref<512xf32, #tpu.memory_space<hbm>> -> memref<16xf32, #tpu.memory_space<hbm>>
      tpu.wait_dma2 semaphore(%run_scoped3A_290 : memref<!tpu.dma_semaphore, #tpu.memory_space<semaphore_mem>>) src(%arg10 : memref<16xf32, #tpu.memory_space<vmem>>) dst(%dma_wait3A_294 : memref<16xf32, #tpu.memory_space<hbm>>)
      tpu.yield
    }) : () -> ()
    return
  }
}

</mosaic_0001>

<sc_bundles>
// kernel: kernel.3.cloned.1.call-start
scs
__scs_entry_jumppad:
0x0: {  	(pc) =	sbr.rel $0x88, $3  }
0x1: {  	(tag) =	ssettag $0x0;
	lr =	simm.s32 $0x1  }
0x2: {  	[smem:$0x3F9E] =	sst lr;
	_ =	strace $0xD0000000  }
0x3: {  	_ = 	snop  }
0x4: {  	_ = 	snop  }
0x5: {  	_ = 	snop  }
0x6: {  	_ = 	snop  }
0x7: {  	_ = 	snop  }
__scs_overlays_trampoline_lowered:
0x8: {  	[smem:$0x3FAD] =	sst s0  }
0x9: {  	[smem:$0x3FAE] =	sst s1  }
0xa: {  	[smem:$0x3FAF] =	sst s2  }
0xb: {  	[smem:$0x3FB0] =	sst s3  }
0xc: {  	[smem:$0x3FB1] =	sst s4  }
0xd: {  	[smem:$0x3FB2] =	sst s5  }
0xe: {  	[smem:$0x3FB3] =	sst s6  }
0xf: {  	[smem:$0x3FB4] =	sst s7  }
0x10: {  	[smem:$0x3FB5] =	sst s8  }
0x11: {  	[smem:$0x3FB6] =	sst s9;
	s0 =	simm.s32 @!p0 $0x0  }
0x12: {  	s1 =	sld [smem:$0x3F9C];
	s0 =	simm.s32 @p0 $0x1  }
0x13: {  	[smem:$0x3FB7] =	sst s0;
	s0 =	simm.s32 @!p1 $0x0  }
0x14: {  	s2 =	sld [smem:$0x3F9B];
	s0 =	simm.s32 @p1 $0x1  }
0x15: {  	[smem:$0x3FB8] =	sst s0;
	s0 =	simm.s32 @!p2 $0x0  }
0x16: {  	s3 =	sld [smem:$0x3FDB];
	s0 =	simm.s32 @p2 $0x1  }
0x17: {  	s4 =	simm.s32 $0x1BF5;
	[smem:$0x3FBA] =	sst s0  }
0x18: {  	s0 =	sld [smem:$0x3F9D];
	_ =	swait.ge [sflag:s4], $0x0  }
0x19: {  	s7 =	sld [smem:$0x3F9E]  }
0x1a: {  	s8 =	sadd.s32 $0xFFFFE003, lr  }
0x1b: {  	s9 =	sadd.s32 $0xFFFFFEF7, lr;
	s5 =	simm.s32 $0xFFFFFFFF;
	p2 =	slt.u32 s8, $0xFFFFF086  }
0x1c: {  	p1 =	slt.u32 s9, $0xF7A;
	s5 =	simm.s32 @!p2 $0x0  }
0x1d: {  	s5 =	simm.s32 @p1 $0x1;
	p0 =	seq.s32 s7, s2  }
0x1e: {  	s7 =	smul.u32 @!p0 $0xF7A, s2;
	p2 =	seq.s32 @!p0 s5, $0x0  }
0x1f: {  	s9 =	smul.u32 $0xF7A, s1;
	s8 =	simm.s32 @!p0 $0x1BF5;
	p2 =	por !p2, p0  }
0x20: {  	[sflag:s8] =	ssyncset.s32 @!p0 $0xFFFFF086;
	s6 =	sadd.s32 @!p0 s3, s7;
	s7 =	simm.s32 @!p0 $0x108  }
0x21: {  	s3 =	sadd.s32 s3, s9;
	s6 =	sadd.s32 @!p0 $0x88, s6;
	s7 =	simm.s32 @p2 $0x1082  }
0x22: {  	[simem:s7], [sflag:s8] =	dma.local @!p0 [hbm:s6], $0xF7A  }
0x23: {  	s9 =	sor.u32 $0xD0000000, s2;
	s6 =	simm.s32 $0x108;
	_ =	swait.ge @!p0 [sflag:s8], $0x0  }
0x24: {  	s3 =	sadd.s32 $0x88, s3;
	s6 =	simm.s32 @!p1 $0x1082;
	[sflag:s4] =	ssyncset.s32 $0xFFFFF086  }
0x25: {  	[simem:s6], [sflag:s4] =	dma.local [hbm:s3], $0xF7A  }
0x26: {  	[smem:$0x3F9E] =	sst s1;
	(tag) =	ssettag s2;
	_ =	strace s9  }
0x27: {  	s1 =	sld [smem:$0x3FAE]  }
0x28: {  	s2 =	sld [smem:$0x3FAF]  }
0x29: {  	s4 =	sld [smem:$0x3FB1]  }
0x2a: {  	p0 =	seq.s32 s5, $0x0;
	s5 =	sld [smem:$0x3FB2]  }
0x2b: {  	s6 =	sld [smem:$0x3FB3]  }
0x2c: {  	s7 =	sld [smem:$0x3FB4]  }
0x2d: {  	s3 =	simm.s32 $0x108;
	s8 =	sld [smem:$0x3FB5]  }
0x2e: {  	s3 =	simm.s32 @!p0 $0x1082;
	s9 =	sld [smem:$0x3FB6]  }
0x2f: {  	lr =	sadd.s32 s0, s3;
	s0 =	sld [smem:$0x3FAD]  }
0x30: {  	s3 =	sld [smem:$0x3FB0]  }
0x31: {  	[smem:$0x3FB9] =	sst s10  }
0x32: {  	s10 =	sld [smem:$0x3FB7];
	_ =	sdelay $0x3  }
0x33: {  	p0 =	seq.s32 s10, $0x1;
	s10 =	sld [smem:$0x3FB9];
	_ =	sdelay $0x3  }
0x34: {  	[smem:$0x3FB9] =	sst s10  }
0x35: {  	s10 =	sld [smem:$0x3FB8];
	_ =	sdelay $0x3  }
0x36: {  	p1 =	seq.s32 s10, $0x1;
	s10 =	sld [smem:$0x3FB9];
	_ =	sdelay $0x3  }
0x37: {  	[smem:$0x3FB9] =	sst s10  }
0x38: {  	s10 =	sld [smem:$0x3FBA]  }
0x39: {  	_ = 	snop;
	(pc) =	sbr.ind lr, $3  }
0x3a: {  	_ = 	snop  }
0x3b: {  	_ = 	snop  }
0x3c: {  	p2 =	seq.s32 s10, $0x1;
	s10 =	sld [smem:$0x3FB9]  }
0x3d: {  	_ =	shalt  }
0x3e: {  	_ =	shalt  }
0x3f: {  	_ =	shalt  }
0x40: {  	_ =	shalt  }
0x41: {  	_ =	shalt  }
0x42: {  	_ =	shalt  }
0x43: {  	_ =	shalt  }
0x44: {  	_ =	shalt  }
0x45: {  	_ =	shalt  }
0x46: {  	_ =	shalt  }
0x47: {  	_ =	shalt  }
0x48: {  	_ =	shalt  }
0x49: {  	_ =	shalt  }
0x4a: {  	_ =	shalt  }
0x4b: {  	_ =	shalt  }
0x4c: {  	_ =	shalt  }
0x4d: {  	_ =	shalt  }
0x4e: {  	_ =	shalt  }
0x4f: {  	_ =	shalt  }
0x50: {  	_ =	shalt  }
0x51: {  	_ =	shalt  }
0x52: {  	_ =	shalt  }
0x53: {  	_ =	shalt  }
0x54: {  	_ =	shalt  }
0x55: {  	_ =	shalt  }
0x56: {  	_ =	shalt  }
0x57: {  	_ =	shalt  }
0x58: {  	_ =	shalt  }
0x59: {  	_ =	shalt  }
0x5a: {  	_ =	shalt  }
0x5b: {  	_ =	shalt  }
0x5c: {  	_ =	shalt  }
0x5d: {  	_ =	shalt  }
0x5e: {  	_ =	shalt  }
0x5f: {  	_ =	shalt  }
0x60: {  	_ =	shalt  }
0x61: {  	_ =	shalt  }
0x62: {  	_ =	shalt  }
0x63: {  	_ =	shalt  }
0x64: {  	_ =	shalt  }
0x65: {  	_ =	shalt  }
0x66: {  	_ =	shalt  }
0x67: {  	_ =	shalt  }
0x68: {  	_ =	shalt  }
0x69: {  	_ =	shalt  }
0x6a: {  	_ =	shalt  }
0x6b: {  	_ =	shalt  }
0x6c: {  	_ =	shalt  }
0x6d: {  	_ =	shalt  }
0x6e: {  	_ =	shalt  }
0x6f: {  	_ =	shalt  }
0x70: {  	_ =	shalt  }
0x71: {  	_ =	shalt  }
0x72: {  	_ =	shalt  }
0x73: {  	_ =	shalt  }
0x74: {  	_ =	shalt  }
0x75: {  	_ =	shalt  }
0x76: {  	_ =	shalt  }
0x77: {  	_ =	shalt  }
0x78: {  	_ =	shalt  }
0x79: {  	_ =	shalt  }
0x7a: {  	_ =	shalt  }
0x7b: {  	_ =	shalt  }
0x7c: {  	_ =	shalt  }
0x7d: {  	_ =	shalt  }
0x7e: {  	_ =	shalt  }
0x7f: {  	_ =	shalt  }
0x80: {  	_ =	shalt  }
0x81: {  	_ =	shalt  }
0x82: {  	_ =	shalt  }
0x83: {  	_ =	shalt  }
0x84: {  	_ =	shalt  }
0x85: {  	_ =	shalt  }
0x86: {  	_ =	shalt  }
0x87: {  	_ =	shalt  }
.Lfunc_end0:
.L_simem_size_0:
called_computation_lowered:
.L_overlay_start_0:
0x88: {  	s2 =	sld [smem:$0x3FD9]  }
0x89: {  	s3 =	sld [smem:$0x3FFE];
	_ =	sdelay $0x1  }
0x8a: {  	s1 =	srdreg.scid  }
0x8b: {  	s0 =	sand.u32 $0x1, s1  }
0x8c: {  	s16 =	sshll.u32 s0, $0xA;
	s2 =	sadd.s32 s3, s2  }
0x8d: {  	s2 =	sadd.s32 s2, s16  }
0x8e: {  	[smem:$0x3FC5] =	sst s2  }
0x8f: {  	_ = 	snop  }
0x90: {  	(tm) =	ssettm $0x1  }
0x91: {  	s17 =	sld [smem:$0x3FFB];
	_ =	sdelay $0x3  }
0x92: {  	_ =	strace s17  }
0x93: {  	s2 =	sld [smem:$0x3FFC];
	_ =	sdelay $0x3  }
0x94: {  	_ =	strace s2  }
0x95: {  	s2 =	sld [smem:$0x3FFD];
	_ =	sdelay $0x3  }
0x96: {  	_ =	strace s2  }
0x97: {  	_ =	strace $0x8FFFFFFF  }
0x98: {  	s18 =	sld [smem:$0x3FDB];
	_ =	sdelay $0x1  }
0x99: {  	s19 =	simm.s32 $_scs_section_size  }
0x9a: {  	s4 =	simm.s32 $_size__tile_overlayer_lowered;
	s5 =	simm.s32 $_tile_overlayer_lowered  }
0x9b: {  	s22 =	simm.s32 $0x1BFF;
	s21 =	sshll.u32 s5, $0x1;
	s2 =	sadd.s32 s19, s18  }
0x9c: {  	s6 =	simm.s32 $0x0;
	s20 =	sshll.u32 s4, $0x1;
	s4 =	sadd.s32 s21, s2  }
0x9d: {  	[timem:s6], [sflag:s22] =	dma.local [hbm:s4], s20  }
0x9e: {  	_ =	swait.ge [sflag:s22], s20  }
0x9f: {  	s3 =	ssub.s32 $0x0, s20;
	[sflag:s22] =	ssyncset.done $0x0  }
0xa0: {  	[sflag:s22] =	ssyncadd.s32 s3;
	_ =	sdelay $0x1  }
0xa1: {  	s23 =	simm.s32 $0x1B8B  }
0xa2: {  	_ =	swait.ge [sflag:s23], $0x1  }
0xa3: {  	[sflag:s23] =	ssyncset.done $0x0  }
0xa4: {  	s25 =	simm.s32 $0x1B8E;
	s24 =	sld [smem:$0x3FFE];
	[sflag:s23] =	ssyncadd.s32 $0xFFFFFFFF  }
0xa5: {  	s26 =	simm.s32 $execute0_lowered;
	[smem:$0x3FD2] =	sst s25  }
0xa6: {  	s4 =	sshll.u32 s26, $0x1;
	_ =	strace $0x80000046;
	[dreg:$0x1] =	wrdreg $0xFFFFFFFF  }
0xa7: {  	s28 =	simm.s32 $_size_execute0_lowered;
	s2 =	sadd.s32 s2, s4;
	[dreg:$0x0] =	wrdreg $0x0  }
0xa8: {  	s4 =	sshll.u32 s28, $0x1;
	[dreg:$0x2] =	wrdreg s2  }
0xa9: {  	[dreg:$0x3] =	wrdreg s4  }
0xaa: {  	[dreg:$0x4] =	wrdreg $0xC0  }
0xab: {  	_ =	task [dreg:s6], $0x5FFFF  }
0xac: {  	[dreg:$0x1] =	wrdreg $0xFFFFFFFF  }
0xad: {  	[dreg:$0x0] =	wrdreg $0x60  }
0xae: {  	[dreg:$0x2] =	wrdreg s24  }
0xaf: {  	[dreg:$0x3] =	wrdreg $0x9  }
0xb0: {  	_ =	task.clear_ibuf [dreg:s6], $0x4FFFF;
	_ =	strace $0x90000046  }
0xb1: {  	s29 =	simm.s32 $0x9;
	_ =	strace $0x80000048  }
0xb2: {  	_ =	swait.ge [sflag:s29], $0x1  }
0xb3: {  	[sflag:s29] =	ssyncadd.s32 $0xFFFFFFFF  }
0xb4: {  	_ =	strace $0x90000048  }
0xb5: {  	_ =	sfence  }
0xb6: {  	s30 =	sld [smem:$0x0];
	_ =	sdelay $0x2  }
0xb7: {  	s31 =	sshll.u32 s1, $0xD;
	s1 =	sshrl.u32 s1, $0x2  }
0xb8: {  	s3 =	sand.u32 $0x4000, s31;
	s1 =	sadd.s32 s1, s30  }
0xb9: {  	s0 =	sor.u32 s3, s0;
	s1 =	sshll.u32 s1, $0x11  }
0xba: {  	s0 =	sor.u32 s1, s0  }
0xbb: {  	s0 =	sadd.s32 $0x8F2B, s0  }
0xbc: {  	[sflag:s0] =	ssyncadd.remote.s32 $0x1  }
0xbd: {  	_ =	sfence.sel $0xFFFF  }
0xbe: {  	[dreg:$0x0] =	wrdreg $0xFFFFFFFF;
	(pc) =	sbr.abs _section_cstart, $3  }
0xbf: {  	[dreg:$0x1] =	wrdreg $0xFFFFFFFF  }
0xc0: {  	_ =	task.clear_ibuf [dreg:s6], $0x2FFFF;
	_ =	strace $0x9FFFFFFF  }
0xc1: {  	(tm) =	ssettm $0x7FFFFFFF  }
tec
execute0_lowered:
.L_overlay_start_1:
0x0: {  	(tag) =	ssettag $0x1  }
0x1: {  	s0 =	srdreg.scid;
	s2 =	stileid.u32  }
0x2: {  	s1 =	rddreg [dreg:$0x0];
	s10 =	simm.s32 $0x2;
	s11 =	simm.s32 $0x200  }
0x3: {  	s12 =	simm.s32 $0x400;
	s13 =	simm.s32 $0x80;
	s14 =	simm.s32 $0x600  }
0x4: {  	s15 =	simm.s32 $0x8600;
	s16 =	simm.s32 $0x10600;
	s23 =	simm.s32 $0x4600  }
0x5: {  	s24 =	simm.s32 $0x300;
	s25 =	simm.s32 $0xC600;
	s28 =	simm.s32 $0x14600  }
0x6: {  	s29 =	simm.s32 $0x180;
	s30 =	simm.s32 $0x6600;
	s31 =	simm.s32 $0x380  }
0x7: {  	s17 =	simm.s32 $0x16600;
	s18 =	simm.s32 $0x1;
	s19 =	simm.s32 $0x18600  }
0x8: {  	s0 =	sand.u32 $0x1, s0;
	s3 =	sshll.u32 s2, $0x1;
	s2 =	simm.s32 $0x0  }
0x9: {  	s20 =	simm.s32 $0x0;
	s4 =	sor.u32 s0, s3;
	[smem:$0x7FF] =	sst s2  }
0xa: {  	s0 =	ssub.s32 $0x2, s0;
	s3 =	sshll.u32 s4, $0x6;
	_ =	strace $0x80000047  }
0xb: {  	s5 =	sshll.u32 s4, $0x1;
	s4 =	sadd.s32 $0xF42600, s1;
	s26 =	sshrl.u32 s0, $0x1  }
0xc: {  	s7 =	sadd.s32 s3, s1;
	s3 =	sadd.s32 $0x16E3800, s1;
	s1 =	sadd.s32 s5, s1  }
0xd: {  	s0 =	ssub.s32 s0, s26;
	s26 =	simm.s32 $0x500;
	s5 =	sadd.s32 $0x200, s7  }
0xe: {  	v0 =	vlaneseq.u32;
	s6 =	sadd.s32 $0xA00, s7;
	s7 =	sadd.s32 $0x1200, s7;
	s8 =	sadd.s32 $0x1A00, s1  }
0xf: {  	v0 =	vmul.u32 $0x40, v0;
	s9 =	smax.u32 s0, $0x1;
	s1 =	simm.s32 $0xE600;
	s0 =	simm.s32 $0x580  }
.LBB2_1:
0x10: {  	[tilespmem:s2], [sflag:$0x2] =	stream.linear.gather [hbm4b:s5+s2], $0x200, $0x38;
	[tilespmem:$0x18610] =	vst v63  }
0x11: {  	_ =	swait.ge [sflag:s10], $0x200  }
0x12: {  	[sflag:s10] =	ssyncset.done $0x0  }
0x13: {  	[sflag:s10] =	ssyncadd.s32 $0xFFFFFE00  }
0x14: {  	[tilespmem:s11], [sflag:$0x2] =	stream.linear.gather [hbm4b:s6+s2], $0x200, $0x38;
	[tilespmem:$0x18610] =	vst v63  }
0x15: {  	_ =	swait.ge [sflag:s10], $0x200  }
0x16: {  	[sflag:s10] =	ssyncset.done $0x0  }
0x17: {  	[sflag:s10] =	ssyncadd.s32 $0xFFFFFE00  }
0x18: {  	[tilespmem:s12], [sflag:$0x2] =	stream.linear.gather [hbm4b:s7+s2], $0x200, $0x38;
	[tilespmem:$0x18610] =	vst v63  }
0x19: {  	_ =	swait.ge [sflag:s10], $0x200  }
0x1a: {  	[sflag:s10] =	ssyncset.done $0x0  }
0x1b: {  	[sflag:s10] =	ssyncadd.s32 $0xFFFFFE00  }
0x1c: {  	[tilespmem:s14], [sflag:$0x1] =	stream.indirect.gather [hbm4b:s3+s13], $0x40, s2, s13, $0xb8;
	[tilespmem:$0x18610] =	vst v63  }
0x1d: {  	_ = 	snop  }
0x1e: {  	[tilespmem:s15], [sflag:$0x1] =	stream.indirect.gather [hbm4b:s4+s13], $0x40, s11, s13, $0xb8;
	[tilespmem:$0x18610] =	vst v63  }
0x1f: {  	_ = 	snop  }
0x20: {  	[tilespmem:s16], [sflag:$0x1] =	stream.indirect.gather [hbm4b:s4+s13], $0x40, s12, s13, $0xb8;
	[tilespmem:$0x18610] =	vst v63  }
0x21: {  	s21 =	simm.s32 $0x2600  }
0x22: {  	[tilespmem:s21], [sflag:$0x1] =	stream.indirect.gather [hbm4b:s3+s13], $0x40, s13, s13, $0xb8;
	[tilespmem:$0x18610] =	vst v63  }
0x23: {  	s22 =	simm.s32 $0xA600;
	s21 =	simm.s32 $0x280  }
0x24: {  	[tilespmem:s22], [sflag:$0x1] =	stream.indirect.gather [hbm4b:s4+s13], $0x40, s21, s13, $0xb8;
	[tilespmem:$0x18610] =	vst v63  }
0x25: {  	s21 =	simm.s32 $0x480;
	s22 =	simm.s32 $0x12600  }
0x26: {  	[tilespmem:s22], [sflag:$0x1] =	stream.indirect.gather [hbm4b:s4+s13], $0x40, s21, s13, $0xb8;
	[tilespmem:$0x18610] =	vst v63  }
0x27: {  	s22 =	simm.s32 $0x100  }
0x28: {  	[tilespmem:s23], [sflag:$0x1] =	stream.indirect.gather [hbm4b:s3+s13], $0x40, s22, s13, $0xb8;
	[tilespmem:$0x18610] =	vst v63  }
0x29: {  	_ = 	snop  }
0x2a: {  	[tilespmem:s25], [sflag:$0x1] =	stream.indirect.gather [hbm4b:s4+s13], $0x40, s24, s13, $0xb8;
	[tilespmem:$0x18610] =	vst v63  }
0x2b: {  	_ = 	snop  }
0x2c: {  	[tilespmem:s28], [sflag:$0x1] =	stream.indirect.gather [hbm4b:s4+s13], $0x40, s26, s13, $0xb8;
	[tilespmem:$0x18610] =	vst v63  }
0x2d: {  	_ = 	snop  }
0x2e: {  	[tilespmem:s30], [sflag:$0x1] =	stream.indirect.gather [hbm4b:s3+s13], $0x40, s29, s13, $0xb8;
	[tilespmem:$0x18610] =	vst v63  }
0x2f: {  	_ = 	snop  }
0x30: {  	[tilespmem:s1], [sflag:$0x1] =	stream.indirect.gather [hbm4b:s4+s13], $0x40, s31, s13, $0xb8;
	[tilespmem:$0x18610] =	vst v63  }
0x31: {  	_ = 	snop  }
0x32: {  	[tilespmem:s17], [sflag:$0x1] =	stream.indirect.gather [hbm4b:s4+s13], $0x40, s0, s13, $0xb8;
	[tilespmem:$0x18610] =	vst v63  }
0x33: {  	_ =	swait.ge [sflag:s18], $0x2000  }
0x34: {  	[sflag:s18] =	ssyncset.done $0x0  }
0x35: {  	[sflag:s18] =	ssyncadd.s32 $0xFFFFE000  }
0x36: {  	_ =	swait.ge [sflag:s18], $0x2000  }
0x37: {  	[sflag:s18] =	ssyncset.done $0x0  }
0x38: {  	[sflag:s18] =	ssyncadd.s32 $0xFFFFE000  }
0x39: {  	_ =	swait.ge [sflag:s18], $0x2000  }
0x3a: {  	[sflag:s18] =	ssyncset.done $0x0  }
0x3b: {  	[sflag:s18] =	ssyncadd.s32 $0xFFFFE000  }
0x3c: {  	_ =	swait.ge [sflag:s18], $0x2000  }
0x3d: {  	[sflag:s18] =	ssyncset.done $0x0  }
0x3e: {  	[sflag:s18] =	ssyncadd.s32 $0xFFFFE000  }
0x3f: {  	_ =	swait.ge [sflag:s18], $0x2000  }
0x40: {  	[sflag:s18] =	ssyncset.done $0x0  }
0x41: {  	[sflag:s18] =	ssyncadd.s32 $0xFFFFE000  }
0x42: {  	_ =	swait.ge [sflag:s18], $0x2000  }
0x43: {  	[sflag:s18] =	ssyncset.done $0x0  }
0x44: {  	[sflag:s18] =	ssyncadd.s32 $0xFFFFE000  }
0x45: {  	_ =	swait.ge [sflag:s18], $0x2000  }
0x46: {  	[sflag:s18] =	ssyncset.done $0x0  }
0x47: {  	[sflag:s18] =	ssyncadd.s32 $0xFFFFE000  }
0x48: {  	_ =	swait.ge [sflag:s18], $0x2000  }
0x49: {  	[sflag:s18] =	ssyncset.done $0x0  }
0x4a: {  	[sflag:s18] =	ssyncadd.s32 $0xFFFFE000  }
0x4b: {  	_ =	swait.ge [sflag:s18], $0x2000  }
0x4c: {  	[sflag:s18] =	ssyncset.done $0x0  }
0x4d: {  	[sflag:s18] =	ssyncadd.s32 $0xFFFFE000  }
0x4e: {  	_ =	swait.ge [sflag:s18], $0x2000  }
0x4f: {  	[sflag:s18] =	ssyncset.done $0x0  }
0x50: {  	[sflag:s18] =	ssyncadd.s32 $0xFFFFE000  }
0x51: {  	_ =	swait.ge [sflag:s18], $0x2000  }
0x52: {  	[sflag:s18] =	ssyncset.done $0x0  }
0x53: {  	[sflag:s18] =	ssyncadd.s32 $0xFFFFE000  }
0x54: {  	_ =	swait.ge [sflag:s18], $0x2000  }
0x55: {  	[sflag:s18] =	ssyncset.done $0x0  }
0x56: {  	v1 =	vimm.f32 $0.0e+00;
	s21 =	simm.s32 $0x0;
	[sflag:s18] =	ssyncadd.s32 $0xFFFFE000  }
.LBB2_2:
0x57: {  	s22 =	simm.s32 $0x0  }
0x58: {  	v2 =	vmov s22;
	s22 =	sshll.u32 s21, $0x4  }
0x59: {  	v3 =	vmov s22;
	v2 =	vand.u32 $0x3F, v2  }
0x5a: {  	v3 =	vshll.u32 v3, $0x6;
	v4 =	vbroadcast v2, $0x0  }
0x5b: {  	v2 =	vor.u32 v0, v3  }
0x5c: {  	s22 =	simm.s32 $0x1;
	v4 =	vor.u32 v2, v4  }
0x5d: {  	v3 =	vmov s22  }
0x5e: {  	v3 =	vand.u32 $0x3F, v3  }
0x5f: {  	v3 =	vbroadcast v3, $0x0;
	_ =	sdelay $0x1  }
0x60: {  	v3 =	vor.u32 v2, v3;
	v6 =	vld.idx.msk [tilespmem:v4+s15+$0x0], $0xffff  }
0x61: {  	s22 =	simm.s32 $0x2;
	v9 =	vld.idx.msk [tilespmem:v4+s16+$0x0], $0xffff  }
0x62: {  	v5 =	vmov s22  }
0x63: {  	v5 =	vand.u32 $0x3F, v5;
	v4 =	vld.idx.msk [tilespmem:v4+s14+$0x0], $0xffff  }
0x64: {  	v7 =	vbroadcast v5, $0x0  }
0x65: {  	v5 =	vld.idx.msk [tilespmem:v3+s15+$0x0], $0xffff  }
0x66: {  	s22 =	simm.s32 $0x3;
	v8 =	vor.u32 v2, v7;
	v7 =	vld.idx.msk [tilespmem:v3+s16+$0x0], $0xffff;
	v9 =	vsub.f32 v6, v9;
	v6 =	vimm.f32 $0.0e+00  }
.LBB2_3:
0x67: {  	p0 =	sne.s32 s22, $0x3F  }
.Ltmp0:
0x68: {  	v10 =	vmov s22;
	v11 =	vmul.f32 v9, v4;
	v4 =	vld.idx.msk [tilespmem:v3+s14+$0x0], $0xffff;
	v3 =	vmov v8;
	(pc) =	sbr.rel @p0 .LBB2_3-.Ltmp0, $4  }
0x69: {  	s22 =	sadd.s32 $0x1, s22;
	v10 =	vand.u32 $0x3F, v10  }
0x6a: {  	v10 =	vbroadcast v10, $0x0;
	v6 =	vadd.f32 v11, v6  }
0x6b: {  	v9 =	vmov v5;
	v5 =	vld.idx.msk [tilespmem:v8+s15+$0x0], $0xffff  }
0x6c: {  	v9 =	vsub.f32 v9, v7;
	v7 =	vld.idx.msk [tilespmem:v8+s16+$0x0], $0xffff;
	v8 =	vor.u32 v2, v10  }
0x6d: {  	_ =	sdelay $0x3  }
0x6e: {  	v2 =	vld.idx.msk [tilespmem:v3+s14+$0x0], $0xffff  }
0x6f: {  	v3 =	vld.idx.msk [tilespmem:v8+s15+$0x0], $0xffff  }
0x70: {  	v10 =	vld.idx.msk [tilespmem:v8+s16+$0x0], $0xffff;
	_ =	sdelay $0x1  }
0x71: {  	v61 =	vld.idx.msk [tilespmem:v8+s14+$0x0], $0xffff  }
0x72: {  	v4 =	vmul.f32 v9, v4;
	v5 =	vsub.f32 v5, v7;
	_ =	sdelay $0x1  }
0x73: {  	v4 =	vadd.f32 v4, v6;
	v3 =	vsub.f32 v3, v10;
	v2 =	vmul.f32 v5, v2;
	_ =	sdelay $0x1  }
0x74: {  	v3 =	vmul.f32 v3, v61;
	v2 =	vadd.f32 v2, v4;
	_ =	sdelay $0x1  }
0x75: {  	v2 =	vadd.f32 v3, v2;
	_ =	sdelay $0x1  }
0x76: {  	v3 =	vand.u32 $0x7FFFFFFF, v2  }
0x77: {  	v3 =	vsub.f32 $0.0e+00, v3;
	_ =	sdelay $0x1  }
0x78: {  	v3 =	vmul.f32 $1.442695020e+00, v3;
	_ =	sdelay $0x1  }
0x79: {  	(erf) = vpow2.f32 v3;
	_ =	sdelay $0x8  }
0x7a: {  	v3 =	vpop (erf)  }
0x7b: {  	v62 =	vadd.f32 $2.000000000e+00, v3;
	_ =	sdelay $0x1  }
0x7c: {  	(erf) = vrcp.f32 v62;
	_ =	sdelay $0x8  }
0x7d: {  	v4 =	vpop (erf)  }
0x7e: {  	v3 =	vmul.f32 v4, v3;
	_ =	sdelay $0x1  }
0x7f: {  	v4 =	vmul.f32 v3, v3;
	_ =	sdelay $0x1  }
0x80: {  	v63 =	vmul.f32 $1.111111120e-01, v4;
	_ =	sdelay $0x1  }
0x81: {  	v5 =	vadd.f32 $1.428571490e-01, v63;
	_ =	sdelay $0x1  }
0x82: {  	v5 =	vmul.f32 v5, v4;
	_ =	sdelay $0x1  }
0x83: {  	v5 =	vadd.f32 $2.000000030e-01, v5;
	_ =	sdelay $0x1  }
0x84: {  	v5 =	vmul.f32 v5, v4;
	_ =	sdelay $0x1  }
0x85: {  	v5 =	vadd.f32 $3.333333430e-01, v5;
	_ =	sdelay $0x1  }
0x86: {  	s21 =	sadd.s32 $0x1, s21;
	v4 =	vmul.f32 v5, v4  }
0x87: {  	p0 =	sne.s32 s21, $0x20;
	v2 =	vsub.f32 $0.0e+00, v2  }
.Ltmp1:
0x88: {  	v3 =	vadd.f32 v3, v3;
	v4 =	vadd.f32 $1.000000000e+00, v4;
	(pc) =	sbr.rel @p0 .LBB2_2-.Ltmp1, $3  }
0x89: {  	v2 =	vmax.f32 v2, $0.0e+00  }
0x8a: {  	v1 =	vadd.f32 v2, v1;
	v3 =	vmul.f32 v4, v3;
	_ =	sdelay $0x1  }
0x8b: {  	v1 =	vadd.f32 v3, v1  }
0x8c: {  	_ = 	snop  }
0x8d: {  	(xrf2) =	vadd.scan.msk.f32 $0xffff, v1;
	_ =	sdelay $0x9  }
0x8e: {  	v1, _, _ =	vpop (xrf2)  }
0x8f: {  	v1 =	vadd.f32 $0.0e+00, v1;
	_ =	sdelay $0x1  }
0x90: {  	s20 =	sadd.s32 $0x1, s20;
	v1 =	vbroadcast v1, $0xF  }
0x91: {  	p0 =	sne.s32 s20, s9  }
.Ltmp2:
0x92: {  	[tilespmem:$0x18600] =	vst v1;
	(pc) =	sbr.rel @p0 .LBB2_1-.Ltmp2, $4  }
0x93: {  	[hbm4b:s8+s2] =	stream.linear.scatter [tilespmem:s19], [sflag:$0x2], $0x10, $0x38;
	[tilespmem:$0x18610] =	vst v63  }
0x94: {  	_ =	swait.ge [sflag:s10], $0x10  }
0x95: {  	[sflag:s10] =	ssyncset.done $0x0  }
0x96: {  	[sflag:s10] =	ssyncadd.s32 $0xFFFFFFF0  }
0x97: {  	_ =	sfence.sel $0x180000  }
0x98: {  	[bflag:$0x0] =	sbarrier.arrive $0xFFFF  }
0x99: {  	_ =	strace $0x90000047  }
0x9a: {  	s0 =	stileid.u32;
	[bflag:$0x2] =	sbarrier.arrive $0xFFFF  }
0x9b: {  	p0 =	sne.s32 s0, $0x0;
	s0 =	rddreg [dreg:$0x1]  }
0x9c: {  	s0 =	sadd.s32 @!p0 $0x100000, s0  }
0x9d: {  	[sflag:s0] =	ssyncadd.tile.s32 @!p0 $0x1;
	_ =	shalt  }
.Lfunc_end2:
_tile_overlayer_lowered:
.L_overlay_start_2:
0x9e: {  	(tag) =	ssettag $0x2  }
0x9f: {  	s0 =	rddreg [dreg:$0x0];
	s2 =	stileid.u32  }
0xa0: {  	s1 =	rddreg [dreg:$0x1];
	p0 =	sne.s32 s2, $0x0  }
0xa1: {  	s3 =	rddreg [dreg:$0x2];
	[bflag:$0x3] =	sbarrier.arrive $0xFFFF;
	s2 =	simm.s32 @!p0 $0x1C02  }
0xa2: {  	[timem:s3], [sflag:s2] =	dma.local @!p0 [hbm:s0], s1  }
0xa3: {  	s0 =	simm.s32 @!p0 $0x2  }
0xa4: {  	_ =	swait.ge @!p0 [sflag:s0], s1  }
0xa5: {  	s1 =	ssub.s32 @!p0 $0x0, s1;
	[sflag:s0] =	ssyncset.done @!p0 $0x0  }
0xa6: {  	[sflag:s0] =	ssyncadd.s32 @!p0 s1  }
0xa7: {  	[bflag:$0x3] =	sbarrier.arrive $0xFFFF  }
0xa8: {  	_ =	shalt  }

</sc_bundles>
